<compile_context>
chip_gen: v7x
topology: tpu7x:2x2x1
jax: 0.10.2.dev20260603
libtpu: 0.0.44.dev20260713+nightly
codegen_flags: <defaults>
</compile_context>

<pallas_src>
import functools

import jax
import jax.numpy as jnp
from jax import lax
from jax.experimental import pallas as pl
from jax.experimental.pallas import tpu as pltpu
from jax.experimental.pallas import tpu_sc as plsc

N_NODES = 100000
D_FEAT = 128
NUM_TYPES = 64

NC = 2
NS = 16
NW = NC * NS

C = 160
NCHUNKS = N_NODES // C
IDXW = 40
NGATHER = C // IDXW
MAXCH = -(-NCHUNKS // NW)
NTRIPLES = -(-MAXCH // 3)
NBUF = 3

_mesh = plsc.VectorSubcoreMesh(core_axis_name="c", subcore_axis_name="s")


@functools.partial(
    pl.kernel,
    out_type=jax.ShapeDtypeStruct((N_NODES, D_FEAT), jnp.float32),
    mesh=_mesh,
    compiler_params=pltpu.CompilerParams(needs_layout_passes=False),
    scratch_types=[
        pltpu.VMEM_SHARED((NUM_TYPES, D_FEAT), jnp.float32),
        pltpu.VMEM((C, D_FEAT), jnp.float32),
        pltpu.VMEM((C, D_FEAT), jnp.float32),
        pltpu.VMEM((C, D_FEAT), jnp.float32),
        pltpu.VMEM((NGATHER, IDXW), jnp.int32),
        pltpu.VMEM((NGATHER, IDXW), jnp.int32),
        pltpu.VMEM((NGATHER, IDXW), jnp.int32),
        pltpu.SemaphoreType.DMA((NBUF,)),
        pltpu.SemaphoreType.DMA((NBUF,)),
        pltpu.SemaphoreType.DMA((NBUF, C // IDXW)),
        pltpu.SemaphoreType.DMA((NBUF,)),
    ],
)
def _sc_embed_add(x_hbm, types_hbm, table_hbm, out_hbm,
                  table_v, xb0, xb1, xb2, tb0, tb1, tb2,
                  sin_x, sin_t, sg, sout):
    xb = (xb0, xb1, xb2)
    tb = (tb0, tb1, tb2)
    wid = lax.axis_index("s") * NC + lax.axis_index("c")

    n_my = (NCHUNKS - wid + NW - 1) // NW

    def in_x(i, b):
        c = wid + i * NW
        return pltpu.make_async_copy(
            x_hbm.at[pl.ds(c * C, C), :], xb[b], sin_x.at[b])

    def in_t(i, b):
        return pltpu.make_async_copy(
            types_hbm.at[wid + i * NW], tb[b], sin_t.at[b])

    def gather_add(b, j):
        return pltpu.async_copy(
            table_v.at[tb[b].at[j]],
            xb[b].at[pl.ds(j * IDXW, IDXW), :],
            sg.at[b, j],
            add=True,
        )

    def wait_gather(b, j):
        pltpu.make_async_copy(
            table_v.at[tb[b].at[j]],
            xb[b].at[pl.ds(j * IDXW, IDXW), :],
            sg.at[b, j],
        ).wait()

    def out_slice(i, b, j):
        c = wid + i * NW
        return pltpu.make_async_copy(
            xb[b].at[pl.ds(j * IDXW, IDXW), :],
            out_hbm.at[pl.ds(c * C + j * IDXW, IDXW), :],
            sout.at[b])

    def out_copy(i, b):
        c = wid + i * NW
        return pltpu.make_async_copy(
            xb[b], out_hbm.at[pl.ds(c * C, C), :], sout.at[b])

    in_x(0, 0).start()
    in_t(0, 0).start()

    @pl.when(1 < n_my)
    def _pre1():
        in_x(1, 1).start()
        in_t(1, 1).start()

    @pl.when(lax.axis_index("s") == 0)
    def _stage_table():
        pltpu.sync_copy(table_hbm, table_v)

    plsc.subcore_barrier()

    in_x(0, 0).wait()
    in_t(0, 0).wait()
    for j in range(NGATHER):
        gather_add(0, j)

    def stage(i, b):
        b1 = (b + 1) % NBUF
        b2 = (b + 2) % NBUF

        @pl.when(i + 2 < n_my)
        def _prefetch():
            @pl.when(i >= 1)
            def _drain_prev_out():
                out_copy(i - 1, b2).wait()

            in_x(i + 2, b2).start()
            in_t(i + 2, b2).start()

        for j in range(NGATHER):
            wait_gather(b, j)
            out_slice(i, b, j).start()

        @pl.when(i + 1 < n_my)
        def _launch_next():
            in_x(i + 1, b1).wait()
            in_t(i + 1, b1).wait()
            for j in range(NGATHER):
                gather_add(b1, j)

    def triple_body(p, carry):
        i0 = p * 3
        for k in range(3):
            @pl.when(i0 + k < n_my)
            def _s(k=k):
                stage(i0 + k, k)

        return carry

    lax.fori_loop(0, NTRIPLES, triple_body, 0)

    for b in range(NBUF):
        @pl.when(n_my >= b + 1)
        def _drain(b=b):
            i = n_my - 1 - lax.rem(n_my - 1 - b + NBUF, NBUF)
            out_copy(i, b).wait()


def kernel(x, node_types, type_table):
    types_r = node_types.astype(jnp.int32).reshape(NCHUNKS, NGATHER, IDXW)
    return _sc_embed_add(x, types_r, type_table)

# --- scband reference (transcript-rebuilt; emitter-appended) ---
"""Pipeline reference for scband-gnn-6253472383493 (READ-ONLY COPY).

The authoritative reference and input builder live on the scoring server;
editing this copy changes nothing except your own understanding.
"""

import jax, jax.numpy as jnp
import numpy as np

N_NODES = 100000
D_FEAT = 128
NUM_TYPES = 64

def setup_inputs(seed: int = 0) -> dict:
    key = jax.random.key(seed)
    k_x, k_t, k_w = jax.random.split(key, 3)
    x = jax.random.normal(k_x, (N_NODES, D_FEAT), dtype=jnp.float32)
    node_types = jax.random.randint(k_t, (N_NODES,), 0, NUM_TYPES, dtype=jnp.int64)
    # learned node-type embedding table (TypeEmbedder weight)
    type_table = jax.random.normal(k_w, (NUM_TYPES, D_FEAT), dtype=jnp.float32) * 0.02
    return {"x": x, "node_types": node_types, "type_table": type_table}

def reference(x, node_types, type_table):
    # GNN._forward with use_node_type_embeddings=True:
    #   type_embeddings = node_type_embedder(data.types.node_types)  -> embedding gather
    #   data.x = data.x + type_embeddings
    type_embeddings = jnp.take(type_table, node_types, axis=0)
    out = x + type_embeddings
    return out

if __name__ == "__main__":
    import jax
    _d = setup_inputs()
    print(jax.jit(kernel)(*tuple(_d.values())))

</pallas_src>

<mosaic_0001>
#map = affine_map<(d0, d1) -> (0, 0)>
#map1 = affine_map<(d0, d1) -> (0, 0, 0)>
module attributes {stable_mosaic.version = 14 : i64} {
  func.func @_sc_embed_add(%arg0: i32, %arg1: i32, %arg2: memref<100000x128xf32, #tpu.memory_space<hbm>>, %arg3: memref<625x4x40xi32, #tpu.memory_space<hbm>>, %arg4: memref<64x128xf32, #tpu.memory_space<hbm>>, %arg5: memref<100000x128xf32, #tpu.memory_space<hbm>>, %arg6: memref<64x128xf32, #tpu.memory_space<vmem_shared>>, %arg7: memref<160x128xf32, #tpu.memory_space<vmem>>, %arg8: memref<160x128xf32, #tpu.memory_space<vmem>>, %arg9: memref<160x128xf32, #tpu.memory_space<vmem>>, %arg10: memref<4x40xi32, #tpu.memory_space<vmem>>, %arg11: memref<4x40xi32, #tpu.memory_space<vmem>>, %arg12: memref<4x40xi32, #tpu.memory_space<vmem>>, %arg13: memref<3x!tpu.dma_semaphore, #tpu.memory_space<semaphore_mem>>, %arg14: memref<3x!tpu.dma_semaphore, #tpu.memory_space<semaphore_mem>>, %arg15: memref<3x4x!tpu.dma_semaphore, #tpu.memory_space<semaphore_mem>>, %arg16: memref<3x!tpu.dma_semaphore, #tpu.memory_space<semaphore_mem>>) attributes {dimension_semantics = [#tpu.dimension_semantics<core_parallel>, #tpu.dimension_semantics<subcore_parallel>], iteration_bounds = array<i64: 2, 16>, scalar_prefetch = 0 : i64, scratch_operands = 11 : i64, tpu.core_type = #tpu.core_type<sc_vector_subcore>, window_params = [{transform_indices = #map}, {transform_indices = #map1}, {transform_indices = #map}, {transform_indices = #map}]} {
    %mul3A = arith.constant 2 : i32
    %mul3A_0 = arith.muli %arg1, %mul3A : i32
    %add3A = arith.addi %mul3A_0, %arg0 : i32
    %sub3A = arith.constant 625 : i32
    %sub3A_1 = arith.subi %sub3A, %add3A : i32
    %add3A_2 = arith.constant 32 : i32
    %add3A_3 = arith.addi %sub3A_1, %add3A_2 : i32
    %sub3A_4 = arith.constant 1 : i32
    %sub3A_5 = arith.subi %add3A_3, %sub3A_4 : i32
    %jit3A = arith.constant 32 : i32
    %div3A = arith.divsi %sub3A_5, %jit3A : i32
    %sign3A = arith.constant 0 : i32
    %sign3A_6 = arith.cmpi sgt, %sub3A_5, %sign3A : i32
    %sign3A_7 = arith.extui %sign3A_6 : i1 to i32
    %sign3A_8 = arith.constant 0 : i32
    %sign3A_9 = arith.cmpi slt, %sub3A_5, %sign3A_8 : i32
    %sign3A_10 = arith.extui %sign3A_9 : i1 to i32
    %sign3A_11 = arith.subi %sign3A_7, %sign3A_10 : i32
    %sign3A_12 = arith.constant 0 : i32
    %sign3A_13 = arith.cmpi sgt, %jit3A, %sign3A_12 : i32
    %sign3A_14 = arith.extui %sign3A_13 : i1 to i32
    %sign3A_15 = arith.constant 0 : i32
    %sign3A_16 = arith.cmpi slt, %jit3A, %sign3A_15 : i32
    %sign3A_17 = arith.extui %sign3A_16 : i1 to i32
    %sign3A_18 = arith.subi %sign3A_14, %sign3A_17 : i32
    %ne3A = arith.cmpi ne, %sign3A_11, %sign3A_18 : i32
    %rem3A = arith.remsi %sub3A_5, %jit3A : i32
    %ne3A_19 = arith.constant 0 : i32
    %ne3A_20 = arith.cmpi ne, %rem3A, %ne3A_19 : i32
    %and3A = arith.andi %ne3A, %ne3A_20 : i1
    %sub3A_21 = arith.constant 1 : i32
    %sub3A_22 = arith.subi %div3A, %sub3A_21 : i32
    %select_n3A = arith.select %and3A, %sub3A_22, %div3A : i32
    %add3A_23 = arith.constant 0 : i32
    %add3A_24 = arith.addi %add3A, %add3A_23 : i32
    %mul3A_25 = arith.constant 160 : i32
    %mul3A_26 = arith.muli %add3A_24, %mul3A_25 : i32
    %dma_start3A = arith.constant 0 : i32
    %dma_start3A_27 = arith.constant 0 : i32
    %dma_start3A_28 = tpu.memref_slice %arg2[%mul3A_26, %dma_start3A_27] : memref<100000x128xf32, #tpu.memory_space<hbm>> -> memref<160x128xf32, #tpu.memory_space<hbm>>
    %dma_start3A_29 = tpu.memref_slice %arg13[%dma_start3A] : memref<3x!tpu.dma_semaphore, #tpu.memory_space<semaphore_mem>> -> memref<1x!tpu.dma_semaphore, #tpu.memory_space<semaphore_mem>>
    %dma_start3A_30 = tpu.memref_squeeze %dma_start3A_29 : memref<1x!tpu.dma_semaphore, #tpu.memory_space<semaphore_mem>> -> memref<!tpu.dma_semaphore, #tpu.memory_space<semaphore_mem>>
    %dma_start3A_31 = arith.constant 0 : i32
    %dma_start3A_32 = tpu.memref_slice %arg2[%mul3A_26, %dma_start3A_31] : memref<100000x128xf32, #tpu.memory_space<hbm>> -> memref<160x128xf32, #tpu.memory_space<hbm>>
    tpu.enqueue_dma source(%dma_start3A_32 : memref<160x128xf32, #tpu.memory_space<hbm>>) target(%arg7 : memref<160x128xf32, #tpu.memory_space<vmem>>) target_semaphore(%dma_start3A_30 : memref<!tpu.dma_semaphore, #tpu.memory_space<semaphore_mem>>)
    %add3A_33 = arith.constant 0 : i32
    %add3A_34 = arith.addi %add3A, %add3A_33 : i32
    %dma_start3A_35 = arith.constant 0 : i32
    %dma_start3A_36 = arith.constant 0 : i32
    %dma_start3A_37 = arith.constant 0 : i32
    %dma_start3A_38 = tpu.memref_slice %arg3[%add3A_34, %dma_start3A_36, %dma_start3A_37] : memref<625x4x40xi32, #tpu.memory_space<hbm>> -> memref<1x4x40xi32, #tpu.memory_space<hbm>>
    %dma_start3A_39 = tpu.memref_squeeze %dma_start3A_38 : memref<1x4x40xi32, #tpu.memory_space<hbm>> -> memref<4x40xi32, #tpu.memory_space<hbm>>
    %dma_start3A_40 = tpu.memref_slice %arg14[%dma_start3A_35] : memref<3x!tpu.dma_semaphore, #tpu.memory_space<semaphore_mem>> -> memref<1x!tpu.dma_semaphore, #tpu.memory_space<semaphore_mem>>
    %dma_start3A_41 = tpu.memref_squeeze %dma_start3A_40 : memref<1x!tpu.dma_semaphore, #tpu.memory_space<semaphore_mem>> -> memref<!tpu.dma_semaphore, #tpu.memory_space<semaphore_mem>>
    %dma_start3A_42 = arith.constant 0 : i32
    %dma_start3A_43 = arith.constant 0 : i32
    %dma_start3A_44 = tpu.memref_slice %arg3[%add3A_34, %dma_start3A_42, %dma_start3A_43] : memref<625x4x40xi32, #tpu.memory_space<hbm>> -> memref<1x4x40xi32, #tpu.memory_space<hbm>>
    %dma_start3A_45 = tpu.memref_squeeze %dma_start3A_44 : memref<1x4x40xi32, #tpu.memory_space<hbm>> -> memref<4x40xi32, #tpu.memory_space<hbm>>
    tpu.enqueue_dma source(%dma_start3A_45 : memref<4x40xi32, #tpu.memory_space<hbm>>) target(%arg10 : memref<4x40xi32, #tpu.memory_space<vmem>>) target_semaphore(%dma_start3A_41 : memref<!tpu.dma_semaphore, #tpu.memory_space<semaphore_mem>>)
    %gt3A = arith.constant 1 : i32
    %gt3A_46 = arith.cmpi sgt, %select_n3A, %gt3A : i32
    %convert_element_type3A = arith.extui %gt3A_46 : i1 to i32
    %cond3A = arith.constant 0 : i32
    %cond3A_47 = arith.cmpi ne, %convert_element_type3A, %cond3A : i32
    scf.if %cond3A_47 {
      %add3A_150 = arith.constant 32 : i32
      %add3A_151 = arith.addi %add3A, %add3A_150 : i32
      %mul3A_152 = arith.constant 160 : i32
      %mul3A_153 = arith.muli %add3A_151, %mul3A_152 : i32
      %dma_start3A_154 = arith.constant 1 : i32
      %dma_start3A_155 = arith.constant 0 : i32
      %dma_start3A_156 = tpu.memref_slice %arg2[%mul3A_153, %dma_start3A_155] : memref<100000x128xf32, #tpu.memory_space<hbm>> -> memref<160x128xf32, #tpu.memory_space<hbm>>
      %dma_start3A_157 = tpu.memref_slice %arg13[%dma_start3A_154] : memref<3x!tpu.dma_semaphore, #tpu.memory_space<semaphore_mem>> -> memref<1x!tpu.dma_semaphore, #tpu.memory_space<semaphore_mem>>
      %dma_start3A_158 = tpu.memref_squeeze %dma_start3A_157 : memref<1x!tpu.dma_semaphore, #tpu.memory_space<semaphore_mem>> -> memref<!tpu.dma_semaphore, #tpu.memory_space<semaphore_mem>>
      %dma_start3A_159 = arith.constant 0 : i32
      %dma_start3A_160 = tpu.memref_slice %arg2[%mul3A_153, %dma_start3A_159] : memref<100000x128xf32, #tpu.memory_space<hbm>> -> memref<160x128xf32, #tpu.memory_space<hbm>>
      tpu.enqueue_dma source(%dma_start3A_160 : memref<160x128xf32, #tpu.memory_space<hbm>>) target(%arg8 : memref<160x128xf32, #tpu.memory_space<vmem>>) target_semaphore(%dma_start3A_158 : memref<!tpu.dma_semaphore, #tpu.memory_space<semaphore_mem>>)
      %add3A_161 = arith.constant 32 : i32
      %add3A_162 = arith.addi %add3A, %add3A_161 : i32
      %dma_start3A_163 = arith.constant 1 : i32
      %dma_start3A_164 = arith.constant 0 : i32
      %dma_start3A_165 = arith.constant 0 : i32
      %dma_start3A_166 = tpu.memref_slice %arg3[%add3A_162, %dma_start3A_164, %dma_start3A_165] : memref<625x4x40xi32, #tpu.memory_space<hbm>> -> memref<1x4x40xi32, #tpu.memory_space<hbm>>
      %dma_start3A_167 = tpu.memref_squeeze %dma_start3A_166 : memref<1x4x40xi32, #tpu.memory_space<hbm>> -> memref<4x40xi32, #tpu.memory_space<hbm>>
      %dma_start3A_168 = tpu.memref_slice %arg14[%dma_start3A_163] : memref<3x!tpu.dma_semaphore, #tpu.memory_space<semaphore_mem>> -> memref<1x!tpu.dma_semaphore, #tpu.memory_space<semaphore_mem>>
      %dma_start3A_169 = tpu.memref_squeeze %dma_start3A_168 : memref<1x!tpu.dma_semaphore, #tpu.memory_space<semaphore_mem>> -> memref<!tpu.dma_semaphore, #tpu.memory_space<semaphore_mem>>
      %dma_start3A_170 = arith.constant 0 : i32
      %dma_start3A_171 = arith.constant 0 : i32
      %dma_start3A_172 = tpu.memref_slice %arg3[%add3A_162, %dma_start3A_170, %dma_start3A_171] : memref<625x4x40xi32, #tpu.memory_space<hbm>> -> memref<1x4x40xi32, #tpu.memory_space<hbm>>
      %dma_start3A_173 = tpu.memref_squeeze %dma_start3A_172 : memref<1x4x40xi32, #tpu.memory_space<hbm>> -> memref<4x40xi32, #tpu.memory_space<hbm>>
      tpu.enqueue_dma source(%dma_start3A_173 : memref<4x40xi32, #tpu.memory_space<hbm>>) target(%arg11 : memref<4x40xi32, #tpu.memory_space<vmem>>) target_semaphore(%dma_start3A_169 : memref<!tpu.dma_semaphore, #tpu.memory_space<semaphore_mem>>)
    } else {
    }
    %eq3A = arith.constant 0 : i32
    %eq3A_48 = arith.cmpi eq, %arg1, %eq3A : i32
    %convert_element_type3A_49 = arith.extui %eq3A_48 : i1 to i32
    %cond3A_50 = arith.constant 0 : i32
    %cond3A_51 = arith.cmpi ne, %convert_element_type3A_49, %cond3A_50 : i32
    scf.if %cond3A_51 {
      "tpu.region"() ({
        %run_scoped3A = tpu.sem_alloc : memref<!tpu.dma_semaphore, #tpu.memory_space<semaphore_mem>>
        tpu.enqueue_dma source(%arg4 : memref<64x128xf32, #tpu.memory_space<hbm>>) target(%arg6 : memref<64x128xf32, #tpu.memory_space<vmem_shared>>) target_semaphore(%run_scoped3A : memref<!tpu.dma_semaphore, #tpu.memory_space<semaphore_mem>>)
        tpu.wait_dma2 semaphore(%run_scoped3A : memref<!tpu.dma_semaphore, #tpu.memory_space<semaphore_mem>>) src(%arg4 : memref<64x128xf32, #tpu.memory_space<hbm>>) dst(%arg6 : memref<64x128xf32, #tpu.memory_space<vmem_shared>>)
        tpu.yield
      }) : () -> ()
    } else {
    }
    %barrier3A = arith.constant 0 : index
    tpu.barrier barrier_id(%barrier3A)
    %add3A_52 = arith.constant 0 : i32
    %add3A_53 = arith.addi %add3A, %add3A_52 : i32
    %mul3A_54 = arith.constant 160 : i32
    %mul3A_55 = arith.muli %add3A_53, %mul3A_54 : i32
    %dma_wait3A = arith.constant 0 : i32
    %dma_wait3A_56 = arith.constant 0 : i32
    %dma_wait3A_57 = tpu.memref_slice %arg2[%mul3A_55, %dma_wait3A_56] : memref<100000x128xf32, #tpu.memory_space<hbm>> -> memref<160x128xf32, #tpu.memory_space<hbm>>
    %dma_wait3A_58 = tpu.memref_slice %arg13[%dma_wait3A] : memref<3x!tpu.dma_semaphore, #tpu.memory_space<semaphore_mem>> -> memref<1x!tpu.dma_semaphore, #tpu.memory_space<semaphore_mem>>
    %dma_wait3A_59 = tpu.memref_squeeze %dma_wait3A_58 : memref<1x!tpu.dma_semaphore, #tpu.memory_space<semaphore_mem>> -> memref<!tpu.dma_semaphore, #tpu.memory_space<semaphore_mem>>
    %dma_wait3A_60 = arith.constant 0 : i32
    %dma_wait3A_61 = tpu.memref_slice %arg2[%mul3A_55, %dma_wait3A_60] : memref<100000x128xf32, #tpu.memory_space<hbm>> -> memref<160x128xf32, #tpu.memory_space<hbm>>
    tpu.wait_dma2 semaphore(%dma_wait3A_59 : memref<!tpu.dma_semaphore, #tpu.memory_space<semaphore_mem>>) src(%dma_wait3A_61 : memref<160x128xf32, #tpu.memory_space<hbm>>) dst(%arg7 : memref<160x128xf32, #tpu.memory_space<vmem>>)
    %add3A_62 = arith.constant 0 : i32
    %add3A_63 = arith.addi %add3A, %add3A_62 : i32
    %dma_wait3A_64 = arith.constant 0 : i32
    %dma_wait3A_65 = arith.constant 0 : i32
    %dma_wait3A_66 = arith.constant 0 : i32
    %dma_wait3A_67 = tpu.memref_slice %arg3[%add3A_63, %dma_wait3A_65, %dma_wait3A_66] : memref<625x4x40xi32, #tpu.memory_space<hbm>> -> memref<1x4x40xi32, #tpu.memory_space<hbm>>
    %dma_wait3A_68 = tpu.memref_squeeze %dma_wait3A_67 : memref<1x4x40xi32, #tpu.memory_space<hbm>> -> memref<4x40xi32, #tpu.memory_space<hbm>>
    %dma_wait3A_69 = tpu.memref_slice %arg14[%dma_wait3A_64] : memref<3x!tpu.dma_semaphore, #tpu.memory_space<semaphore_mem>> -> memref<1x!tpu.dma_semaphore, #tpu.memory_space<semaphore_mem>>
    %dma_wait3A_70 = tpu.memref_squeeze %dma_wait3A_69 : memref<1x!tpu.dma_semaphore, #tpu.memory_space<semaphore_mem>> -> memref<!tpu.dma_semaphore, #tpu.memory_space<semaphore_mem>>
    %dma_wait3A_71 = arith.constant 0 : i32
    %dma_wait3A_72 = arith.constant 0 : i32
    %dma_wait3A_73 = tpu.memref_slice %arg3[%add3A_63, %dma_wait3A_71, %dma_wait3A_72] : memref<625x4x40xi32, #tpu.memory_space<hbm>> -> memref<1x4x40xi32, #tpu.memory_space<hbm>>
    %dma_wait3A_74 = tpu.memref_squeeze %dma_wait3A_73 : memref<1x4x40xi32, #tpu.memory_space<hbm>> -> memref<4x40xi32, #tpu.memory_space<hbm>>
    tpu.wait_dma2 semaphore(%dma_wait3A_70 : memref<!tpu.dma_semaphore, #tpu.memory_space<semaphore_mem>>) src(%dma_wait3A_74 : memref<4x40xi32, #tpu.memory_space<hbm>>) dst(%arg10 : memref<4x40xi32, #tpu.memory_space<vmem>>)
    %dma_start3A_75 = arith.constant 0 : i32
    %dma_start3A_76 = arith.constant 0 : i32
    %dma_start3A_77 = arith.constant 0 : i32
    %dma_start3A_78 = arith.constant 0 : i32
    %dma_start3A_79 = arith.constant 0 : i32
    %dma_start3A_80 = tpu.memref_slice %arg7[%dma_start3A_78, %dma_start3A_79] : memref<160x128xf32, #tpu.memory_space<vmem>> -> memref<40x128xf32, #tpu.memory_space<vmem>>
    %dma_start3A_81 = arith.constant 0 : i32
    %dma_start3A_82 = tpu.memref_slice %arg10[%dma_start3A_75, %dma_start3A_81] : memref<4x40xi32, #tpu.memory_space<vmem>> -> memref<1x40xi32, #tpu.memory_space<vmem>>
    %dma_start3A_83 = tpu.memref_squeeze %dma_start3A_82 : memref<1x40xi32, #tpu.memory_space<vmem>> -> memref<40xi32, #tpu.memory_space<vmem>>
    %dma_start3A_84 = arith.constant 0 : i32
    %dma_start3A_85 = arith.constant 0 : i32
    %dma_start3A_86 = tpu.memref_slice %arg6[%dma_start3A_84, %dma_start3A_85] : memref<64x128xf32, #tpu.memory_space<vmem_shared>> -> memref<64x128xf32, #tpu.memory_space<vmem_shared>>
    %dma_start3A_87 = tpu.memref_slice %arg15[%dma_start3A_76, %dma_start3A_77] : memref<3x4x!tpu.dma_semaphore, #tpu.memory_space<semaphore_mem>> -> memref<1x1x!tpu.dma_semaphore, #tpu.memory_space<semaphore_mem>>
    %dma_start3A_88 = tpu.memref_squeeze %dma_start3A_87 : memref<1x1x!tpu.dma_semaphore, #tpu.memory_space<semaphore_mem>> -> memref<!tpu.dma_semaphore, #tpu.memory_space<semaphore_mem>>
    tpu.enqueue_indirect_dma source(%dma_start3A_86 : memref<64x128xf32, #tpu.memory_space<vmem_shared>>) target(%dma_start3A_80 : memref<40x128xf32, #tpu.memory_space<vmem>>) offsets(%dma_start3A_83 : memref<40xi32, #tpu.memory_space<vmem>>) semaphore(%dma_start3A_88 : memref<!tpu.dma_semaphore, #tpu.memory_space<semaphore_mem>>) {add = true}
    %dma_start3A_89 = arith.constant 1 : i32
    %dma_start3A_90 = arith.constant 0 : i32
    %dma_start3A_91 = arith.constant 1 : i32
    %dma_start3A_92 = arith.constant 40 : i32
    %dma_start3A_93 = arith.constant 0 : i32
    %dma_start3A_94 = tpu.memref_slice %arg7[%dma_start3A_92, %dma_start3A_93] : memref<160x128xf32, #tpu.memory_space<vmem>> -> memref<40x128xf32, #tpu.memory_space<vmem>>
    %dma_start3A_95 = arith.constant 0 : i32
    %dma_start3A_96 = tpu.memref_slice %arg10[%dma_start3A_89, %dma_start3A_95] : memref<4x40xi32, #tpu.memory_space<vmem>> -> memref<1x40xi32, #tpu.memory_space<vmem>>
    %dma_start3A_97 = tpu.memref_squeeze %dma_start3A_96 : memref<1x40xi32, #tpu.memory_space<vmem>> -> memref<40xi32, #tpu.memory_space<vmem>>
    %dma_start3A_98 = arith.constant 0 : i32
    %dma_start3A_99 = arith.constant 0 : i32
    %dma_start3A_100 = tpu.memref_slice %arg6[%dma_start3A_98, %dma_start3A_99] : memref<64x128xf32, #tpu.memory_space<vmem_shared>> -> memref<64x128xf32, #tpu.memory_space<vmem_shared>>
    %dma_start3A_101 = tpu.memref_slice %arg15[%dma_start3A_90, %dma_start3A_91] : memref<3x4x!tpu.dma_semaphore, #tpu.memory_space<semaphore_mem>> -> memref<1x1x!tpu.dma_semaphore, #tpu.memory_space<semaphore_mem>>
    %dma_start3A_102 = tpu.memref_squeeze %dma_start3A_101 : memref<1x1x!tpu.dma_semaphore, #tpu.memory_space<semaphore_mem>> -> memref<!tpu.dma_semaphore, #tpu.memory_space<semaphore_mem>>
    tpu.enqueue_indirect_dma source(%dma_start3A_100 : memref<64x128xf32, #tpu.memory_space<vmem_shared>>) target(%dma_start3A_94 : memref<40x128xf32, #tpu.memory_space<vmem>>) offsets(%dma_start3A_97 : memref<40xi32, #tpu.memory_space<vmem>>) semaphore(%dma_start3A_102 : memref<!tpu.dma_semaphore, #tpu.memory_space<semaphore_mem>>) {add = true}
    %dma_start3A_103 = arith.constant 2 : i32
    %dma_start3A_104 = arith.constant 0 : i32
    %dma_start3A_105 = arith.constant 2 : i32
    %dma_start3A_106 = arith.constant 80 : i32
    %dma_start3A_107 = arith.constant 0 : i32
    %dma_start3A_108 = tpu.memref_slice %arg7[%dma_start3A_106, %dma_start3A_107] : memref<160x128xf32, #tpu.memory_space<vmem>> -> memref<40x128xf32, #tpu.memory_space<vmem>>
    %dma_start3A_109 = arith.constant 0 : i32
    %dma_start3A_110 = tpu.memref_slice %arg10[%dma_start3A_103, %dma_start3A_109] : memref<4x40xi32, #tpu.memory_space<vmem>> -> memref<1x40xi32, #tpu.memory_space<vmem>>
    %dma_start3A_111 = tpu.memref_squeeze %dma_start3A_110 : memref<1x40xi32, #tpu.memory_space<vmem>> -> memref<40xi32, #tpu.memory_space<vmem>>
    %dma_start3A_112 = arith.constant 0 : i32
    %dma_start3A_113 = arith.constant 0 : i32
    %dma_start3A_114 = tpu.memref_slice %arg6[%dma_start3A_112, %dma_start3A_113] : memref<64x128xf32, #tpu.memory_space<vmem_shared>> -> memref<64x128xf32, #tpu.memory_space<vmem_shared>>
    %dma_start3A_115 = tpu.memref_slice %arg15[%dma_start3A_104, %dma_start3A_105] : memref<3x4x!tpu.dma_semaphore, #tpu.memory_space<semaphore_mem>> -> memref<1x1x!tpu.dma_semaphore, #tpu.memory_space<semaphore_mem>>
    %dma_start3A_116 = tpu.memref_squeeze %dma_start3A_115 : memref<1x1x!tpu.dma_semaphore, #tpu.memory_space<semaphore_mem>> -> memref<!tpu.dma_semaphore, #tpu.memory_space<semaphore_mem>>
    tpu.enqueue_indirect_dma source(%dma_start3A_114 : memref<64x128xf32, #tpu.memory_space<vmem_shared>>) target(%dma_start3A_108 : memref<40x128xf32, #tpu.memory_space<vmem>>) offsets(%dma_start3A_111 : memref<40xi32, #tpu.memory_space<vmem>>) semaphore(%dma_start3A_116 : memref<!tpu.dma_semaphore, #tpu.memory_space<semaphore_mem>>) {add = true}
    %dma_start3A_117 = arith.constant 3 : i32
    %dma_start3A_118 = arith.constant 0 : i32
    %dma_start3A_119 = arith.constant 3 : i32
    %dma_start3A_120 = arith.constant 120 : i32
    %dma_start3A_121 = arith.constant 0 : i32
    %dma_start3A_122 = tpu.memref_slice %arg7[%dma_start3A_120, %dma_start3A_121] : memref<160x128xf32, #tpu.memory_space<vmem>> -> memref<40x128xf32, #tpu.memory_space<vmem>>
    %dma_start3A_123 = arith.constant 0 : i32
    %dma_start3A_124 = tpu.memref_slice %arg10[%dma_start3A_117, %dma_start3A_123] : memref<4x40xi32, #tpu.memory_space<vmem>> -> memref<1x40xi32, #tpu.memory_space<vmem>>
    %dma_start3A_125 = tpu.memref_squeeze %dma_start3A_124 : memref<1x40xi32, #tpu.memory_space<vmem>> -> memref<40xi32, #tpu.memory_space<vmem>>
    %dma_start3A_126 = arith.constant 0 : i32
    %dma_start3A_127 = arith.constant 0 : i32
    %dma_start3A_128 = tpu.memref_slice %arg6[%dma_start3A_126, %dma_start3A_127] : memref<64x128xf32, #tpu.memory_space<vmem_shared>> -> memref<64x128xf32, #tpu.memory_space<vmem_shared>>
    %dma_start3A_129 = tpu.memref_slice %arg15[%dma_start3A_118, %dma_start3A_119] : memref<3x4x!tpu.dma_semaphore, #tpu.memory_space<semaphore_mem>> -> memref<1x1x!tpu.dma_semaphore, #tpu.memory_space<semaphore_mem>>
    %dma_start3A_130 = tpu.memref_squeeze %dma_start3A_129 : memref<1x1x!tpu.dma_semaphore, #tpu.memory_space<semaphore_mem>> -> memref<!tpu.dma_semaphore, #tpu.memory_space<semaphore_mem>>
    tpu.enqueue_indirect_dma source(%dma_start3A_128 : memref<64x128xf32, #tpu.memory_space<vmem_shared>>) target(%dma_start3A_122 : memref<40x128xf32, #tpu.memory_space<vmem>>) offsets(%dma_start3A_125 : memref<40xi32, #tpu.memory_space<vmem>>) semaphore(%dma_start3A_130 : memref<!tpu.dma_semaphore, #tpu.memory_space<semaphore_mem>>) {add = true}
    %scan3A = arith.constant 0 : i32
    %scan3A_131 = arith.constant 0 : i32
    %scan3A_132 = arith.constant 7 : i32
    %scan3A_133 = arith.addi %scan3A_131, %scan3A_132 : i32
    %scan3A_134 = arith.constant 1 : i32
    scf.for %scan3A_150 = %scan3A_131 to %scan3A_133 step %scan3A_134  : i32 {
      %mul3A_151 = arith.constant 3 : i32
      %mul3A_152 = arith.muli %scan3A_150, %mul3A_151 : i32
      %add3A_153 = arith.constant 0 : i32
      %add3A_154 = arith.addi %mul3A_152, %add3A_153 : i32
      %lt3A = arith.cmpi slt, %add3A_154, %select_n3A : i32
      %convert_element_type3A_155 = arith.extui %lt3A : i1 to i32
      %cond3A_156 = arith.constant 0 : i32
      %cond3A_157 = arith.cmpi ne, %convert_element_type3A_155, %cond3A_156 : i32
      scf.if %cond3A_157 {
        %add3A_170 = arith.constant 0 : i32
        %add3A_171 = arith.addi %mul3A_152, %add3A_170 : i32
        %add3A_172 = arith.constant 2 : i32
        %add3A_173 = arith.addi %add3A_171, %add3A_172 : i32
        %lt3A_174 = arith.cmpi slt, %add3A_173, %select_n3A : i32
        %convert_element_type3A_175 = arith.extui %lt3A_174 : i1 to i32
        %cond3A_176 = arith.constant 0 : i32
        %cond3A_177 = arith.cmpi ne, %convert_element_type3A_175, %cond3A_176 : i32
        scf.if %cond3A_177 {
          %ge3A_320 = arith.constant 1 : i32
          %ge3A_321 = arith.cmpi sge, %add3A_171, %ge3A_320 : i32
          %convert_element_type3A_322 = arith.extui %ge3A_321 : i1 to i32
          %cond3A_323 = arith.constant 0 : i32
          %cond3A_324 = arith.cmpi ne, %convert_element_type3A_322, %cond3A_323 : i32
          scf.if %cond3A_324 {
            %sub3A_355 = arith.constant 1 : i32
            %sub3A_356 = arith.subi %add3A_171, %sub3A_355 : i32
            %mul3A_357 = arith.constant 32 : i32
            %mul3A_358 = arith.muli %sub3A_356, %mul3A_357 : i32
            %add3A_359 = arith.addi %add3A, %mul3A_358 : i32
            %mul3A_360 = arith.constant 160 : i32
            %mul3A_361 = arith.muli %add3A_359, %mul3A_360 : i32
            %dma_wait3A_362 = arith.constant 2 : i32
            %dma_wait3A_363 = arith.constant 0 : i32
            %dma_wait3A_364 = tpu.memref_slice %arg5[%mul3A_361, %dma_wait3A_363] : memref<100000x128xf32, #tpu.memory_space<hbm>> -> memref<160x128xf32, #tpu.memory_space<hbm>>
            %dma_wait3A_365 = tpu.memref_slice %arg16[%dma_wait3A_362] : memref<3x!tpu.dma_semaphore, #tpu.memory_space<semaphore_mem>> -> memref<1x!tpu.dma_semaphore, #tpu.memory_space<semaphore_mem>>
            %dma_wait3A_366 = tpu.memref_squeeze %dma_wait3A_365 : memref<1x!tpu.dma_semaphore, #tpu.memory_space<semaphore_mem>> -> memref<!tpu.dma_semaphore, #tpu.memory_space<semaphore_mem>>
            %dma_wait3A_367 = arith.constant 0 : i32
            %dma_wait3A_368 = tpu.memref_slice %arg5[%mul3A_361, %dma_wait3A_367] : memref<100000x128xf32, #tpu.memory_space<hbm>> -> memref<160x128xf32, #tpu.memory_space<hbm>>
            tpu.wait_dma2 semaphore(%dma_wait3A_366 : memref<!tpu.dma_semaphore, #tpu.memory_space<semaphore_mem>>) src(%arg9 : memref<160x128xf32, #tpu.memory_space<vmem>>) dst(%dma_wait3A_368 : memref<160x128xf32, #tpu.memory_space<hbm>>)
          } else {
          }
          %add3A_325 = arith.constant 2 : i32
          %add3A_326 = arith.addi %add3A_171, %add3A_325 : i32
          %mul3A_327 = arith.constant 32 : i32
          %mul3A_328 = arith.muli %add3A_326, %mul3A_327 : i32
          %add3A_329 = arith.addi %add3A, %mul3A_328 : i32
          %mul3A_330 = arith.constant 160 : i32
          %mul3A_331 = arith.muli %add3A_329, %mul3A_330 : i32
          %dma_start3A_332 = arith.constant 2 : i32
          %dma_start3A_333 = arith.constant 0 : i32
          %dma_start3A_334 = tpu.memref_slice %arg2[%mul3A_331, %dma_start3A_333] : memref<100000x128xf32, #tpu.memory_space<hbm>> -> memref<160x128xf32, #tpu.memory_space<hbm>>
          %dma_start3A_335 = tpu.memref_slice %arg13[%dma_start3A_332] : memref<3x!tpu.dma_semaphore, #tpu.memory_space<semaphore_mem>> -> memref<1x!tpu.dma_semaphore, #tpu.memory_space<semaphore_mem>>
          %dma_start3A_336 = tpu.memref_squeeze %dma_start3A_335 : memref<1x!tpu.dma_semaphore, #tpu.memory_space<semaphore_mem>> -> memref<!tpu.dma_semaphore, #tpu.memory_space<semaphore_mem>>
          %dma_start3A_337 = arith.constant 0 : i32
          %dma_start3A_338 = tpu.memref_slice %arg2[%mul3A_331, %dma_start3A_337] : memref<100000x128xf32, #tpu.memory_space<hbm>> -> memref<160x128xf32, #tpu.memory_space<hbm>>
          tpu.enqueue_dma source(%dma_start3A_338 : memref<160x128xf32, #tpu.memory_space<hbm>>) target(%arg9 : memref<160x128xf32, #tpu.memory_space<vmem>>) target_semaphore(%dma_start3A_336 : memref<!tpu.dma_semaphore, #tpu.memory_space<semaphore_mem>>)
          %add3A_339 = arith.constant 2 : i32
          %add3A_340 = arith.addi %add3A_171, %add3A_339 : i32
          %mul3A_341 = arith.constant 32 : i32
          %mul3A_342 = arith.muli %add3A_340, %mul3A_341 : i32
          %add3A_343 = arith.addi %add3A, %mul3A_342 : i32
          %dma_start3A_344 = arith.constant 2 : i32
          %dma_start3A_345 = arith.constant 0 : i32
          %dma_start3A_346 = arith.constant 0 : i32
          %dma_start3A_347 = tpu.memref_slice %arg3[%add3A_343, %dma_start3A_345, %dma_start3A_346] : memref<625x4x40xi32, #tpu.memory_space<hbm>> -> memref<1x4x40xi32, #tpu.memory_space<hbm>>
          %dma_start3A_348 = tpu.memref_squeeze %dma_start3A_347 : memref<1x4x40xi32, #tpu.memory_space<hbm>> -> memref<4x40xi32, #tpu.memory_space<hbm>>
          %dma_start3A_349 = tpu.memref_slice %arg14[%dma_start3A_344] : memref<3x!tpu.dma_semaphore, #tpu.memory_space<semaphore_mem>> -> memref<1x!tpu.dma_semaphore, #tpu.memory_space<semaphore_mem>>
          %dma_start3A_350 = tpu.memref_squeeze %dma_start3A_349 : memref<1x!tpu.dma_semaphore, #tpu.memory_space<semaphore_mem>> -> memref<!tpu.dma_semaphore, #tpu.memory_space<semaphore_mem>>
          %dma_start3A_351 = arith.constant 0 : i32
          %dma_start3A_352 = arith.constant 0 : i32
          %dma_start3A_353 = tpu.memref_slice %arg3[%add3A_343, %dma_start3A_351, %dma_start3A_352] : memref<625x4x40xi32, #tpu.memory_space<hbm>> -> memref<1x4x40xi32, #tpu.memory_space<hbm>>
          %dma_start3A_354 = tpu.memref_squeeze %dma_start3A_353 : memref<1x4x40xi32, #tpu.memory_space<hbm>> -> memref<4x40xi32, #tpu.memory_space<hbm>>
          tpu.enqueue_dma source(%dma_start3A_354 : memref<4x40xi32, #tpu.memory_space<hbm>>) target(%arg12 : memref<4x40xi32, #tpu.memory_space<vmem>>) target_semaphore(%dma_start3A_350 : memref<!tpu.dma_semaphore, #tpu.memory_space<semaphore_mem>>)
        } else {
        }
        %dma_wait3A_178 = arith.constant 0 : i32
        %dma_wait3A_179 = arith.constant 0 : i32
        %dma_wait3A_180 = arith.constant 0 : i32
        %dma_wait3A_181 = arith.constant 0 : i32
        %dma_wait3A_182 = arith.constant 0 : i32
        %dma_wait3A_183 = tpu.memref_slice %arg7[%dma_wait3A_181, %dma_wait3A_182] : memref<160x128xf32, #tpu.memory_space<vmem>> -> memref<40x128xf32, #tpu.memory_space<vmem>>
        %dma_wait3A_184 = arith.constant 0 : i32
        %dma_wait3A_185 = tpu.memref_slice %arg10[%dma_wait3A_178, %dma_wait3A_184] : memref<4x40xi32, #tpu.memory_space<vmem>> -> memref<1x40xi32, #tpu.memory_space<vmem>>
        %dma_wait3A_186 = tpu.memref_squeeze %dma_wait3A_185 : memref<1x40xi32, #tpu.memory_space<vmem>> -> memref<40xi32, #tpu.memory_space<vmem>>
        %dma_wait3A_187 = arith.constant 0 : i32
        %dma_wait3A_188 = arith.constant 0 : i32
        %dma_wait3A_189 = tpu.memref_slice %arg6[%dma_wait3A_187, %dma_wait3A_188] : memref<64x128xf32, #tpu.memory_space<vmem_shared>> -> memref<64x128xf32, #tpu.memory_space<vmem_shared>>
        %dma_wait3A_190 = tpu.memref_slice %arg15[%dma_wait3A_179, %dma_wait3A_180] : memref<3x4x!tpu.dma_semaphore, #tpu.memory_space<semaphore_mem>> -> memref<1x1x!tpu.dma_semaphore, #tpu.memory_space<semaphore_mem>>
        %dma_wait3A_191 = tpu.memref_squeeze %dma_wait3A_190 : memref<1x1x!tpu.dma_semaphore, #tpu.memory_space<semaphore_mem>> -> memref<!tpu.dma_semaphore, #tpu.memory_space<semaphore_mem>>
        tpu.wait_indirect_dma semaphore(%dma_wait3A_191 : memref<!tpu.dma_semaphore, #tpu.memory_space<semaphore_mem>>) src(%dma_wait3A_189 : memref<64x128xf32, #tpu.memory_space<vmem_shared>>) dst(%dma_wait3A_183 : memref<40x128xf32, #tpu.memory_space<vmem>>)
        %mul3A_192 = arith.constant 32 : i32
        %mul3A_193 = arith.muli %add3A_171, %mul3A_192 : i32
        %add3A_194 = arith.addi %add3A, %mul3A_193 : i32
        %mul3A_195 = arith.constant 160 : i32
        %mul3A_196 = arith.muli %add3A_194, %mul3A_195 : i32
        %add3A_197 = arith.constant 0 : i32
        %add3A_198 = arith.addi %mul3A_196, %add3A_197 : i32
        %dma_start3A_199 = arith.constant 0 : i32
        %dma_start3A_200 = arith.constant 0 : i32
        %dma_start3A_201 = arith.constant 0 : i32
        %dma_start3A_202 = tpu.memref_slice %arg7[%dma_start3A_200, %dma_start3A_201] : memref<160x128xf32, #tpu.memory_space<vmem>> -> memref<40x128xf32, #tpu.memory_space<vmem>>
        %dma_start3A_203 = arith.constant 0 : i32
        %dma_start3A_204 = tpu.memref_slice %arg5[%add3A_198, %dma_start3A_203] : memref<100000x128xf32, #tpu.memory_space<hbm>> -> memref<40x128xf32, #tpu.memory_space<hbm>>
        %dma_start3A_205 = tpu.memref_slice %arg16[%dma_start3A_199] : memref<3x!tpu.dma_semaphore, #tpu.memory_space<semaphore_mem>> -> memref<1x!tpu.dma_semaphore, #tpu.memory_space<semaphore_mem>>
        %dma_start3A_206 = tpu.memref_squeeze %dma_start3A_205 : memref<1x!tpu.dma_semaphore, #tpu.memory_space<semaphore_mem>> -> memref<!tpu.dma_semaphore, #tpu.memory_space<semaphore_mem>>
        %dma_start3A_207 = arith.constant 0 : i32
        %dma_start3A_208 = tpu.memref_slice %arg5[%add3A_198, %dma_start3A_207] : memref<100000x128xf32, #tpu.memory_space<hbm>> -> memref<40x128xf32, #tpu.memory_space<hbm>>
        %dma_start3A_209 = arith.constant 0 : i32
        %dma_start3A_210 = arith.constant 0 : i32
        %dma_start3A_211 = tpu.memref_slice %arg7[%dma_start3A_209, %dma_start3A_210] : memref<160x128xf32, #tpu.memory_space<vmem>> -> memref<40x128xf32, #tpu.memory_space<vmem>>
        tpu.enqueue_dma source(%dma_start3A_211 : memref<40x128xf32, #tpu.memory_space<vmem>>) target(%dma_start3A_208 : memref<40x128xf32, #tpu.memory_space<hbm>>) target_semaphore(%dma_start3A_206 : memref<!tpu.dma_semaphore, #tpu.memory_space<semaphore_mem>>)
        %dma_wait3A_212 = arith.constant 1 : i32
        %dma_wait3A_213 = arith.constant 0 : i32
        %dma_wait3A_214 = arith.constant 1 : i32
        %dma_wait3A_215 = arith.constant 40 : i32
        %dma_wait3A_216 = arith.constant 0 : i32
        %dma_wait3A_217 = tpu.memref_slice %arg7[%dma_wait3A_215, %dma_wait3A_216] : memref<160x128xf32, #tpu.memory_space<vmem>> -> memref<40x128xf32, #tpu.memory_space<vmem>>
        %dma_wait3A_218 = arith.constant 0 : i32
        %dma_wait3A_219 = tpu.memref_slice %arg10[%dma_wait3A_212, %dma_wait3A_218] : memref<4x40xi32, #tpu.memory_space<vmem>> -> memref<1x40xi32, #tpu.memory_space<vmem>>
        %dma_wait3A_220 = tpu.memref_squeeze %dma_wait3A_219 : memref<1x40xi32, #tpu.memory_space<vmem>> -> memref<40xi32, #tpu.memory_space<vmem>>
        %dma_wait3A_221 = arith.constant 0 : i32
        %dma_wait3A_222 = arith.constant 0 : i32
        %dma_wait3A_223 = tpu.memref_slice %arg6[%dma_wait3A_221, %dma_wait3A_222] : memref<64x128xf32, #tpu.memory_space<vmem_shared>> -> memref<64x128xf32, #tpu.memory_space<vmem_shared>>
        %dma_wait3A_224 = tpu.memref_slice %arg15[%dma_wait3A_213, %dma_wait3A_214] : memref<3x4x!tpu.dma_semaphore, #tpu.memory_space<semaphore_mem>> -> memref<1x1x!tpu.dma_semaphore, #tpu.memory_space<semaphore_mem>>
        %dma_wait3A_225 = tpu.memref_squeeze %dma_wait3A_224 : memref<1x1x!tpu.dma_semaphore, #tpu.memory_space<semaphore_mem>> -> memref<!tpu.dma_semaphore, #tpu.memory_space<semaphore_mem>>
        tpu.wait_indirect_dma semaphore(%dma_wait3A_225 : memref<!tpu.dma_semaphore, #tpu.memory_space<semaphore_mem>>) src(%dma_wait3A_223 : memref<64x128xf32, #tpu.memory_space<vmem_shared>>) dst(%dma_wait3A_217 : memref<40x128xf32, #tpu.memory_space<vmem>>)
        %mul3A_226 = arith.constant 32 : i32
        %mul3A_227 = arith.muli %add3A_171, %mul3A_226 : i32
        %add3A_228 = arith.addi %add3A, %mul3A_227 : i32
        %mul3A_229 = arith.constant 160 : i32
        %mul3A_230 = arith.muli %add3A_228, %mul3A_229 : i32
        %add3A_231 = arith.constant 40 : i32
        %add3A_232 = arith.addi %mul3A_230, %add3A_231 : i32
        %dma_start3A_233 = arith.constant 0 : i32
        %dma_start3A_234 = arith.constant 40 : i32
        %dma_start3A_235 = arith.constant 0 : i32
        %dma_start3A_236 = tpu.memref_slice %arg7[%dma_start3A_234, %dma_start3A_235] : memref<160x128xf32, #tpu.memory_space<vmem>> -> memref<40x128xf32, #tpu.memory_space<vmem>>
        %dma_start3A_237 = arith.constant 0 : i32
        %dma_start3A_238 = tpu.memref_slice %arg5[%add3A_232, %dma_start3A_237] : memref<100000x128xf32, #tpu.memory_space<hbm>> -> memref<40x128xf32, #tpu.memory_space<hbm>>
        %dma_start3A_239 = tpu.memref_slice %arg16[%dma_start3A_233] : memref<3x!tpu.dma_semaphore, #tpu.memory_space<semaphore_mem>> -> memref<1x!tpu.dma_semaphore, #tpu.memory_space<semaphore_mem>>
        %dma_start3A_240 = tpu.memref_squeeze %dma_start3A_239 : memref<1x!tpu.dma_semaphore, #tpu.memory_space<semaphore_mem>> -> memref<!tpu.dma_semaphore, #tpu.memory_space<semaphore_mem>>
        %dma_start3A_241 = arith.constant 0 : i32
        %dma_start3A_242 = tpu.memref_slice %arg5[%add3A_232, %dma_start3A_241] : memref<100000x128xf32, #tpu.memory_space<hbm>> -> memref<40x128xf32, #tpu.memory_space<hbm>>
        %dma_start3A_243 = arith.constant 40 : i32
        %dma_start3A_244 = arith.constant 0 : i32
        %dma_start3A_245 = tpu.memref_slice %arg7[%dma_start3A_243, %dma_start3A_244] : memref<160x128xf32, #tpu.memory_space<vmem>> -> memref<40x128xf32, #tpu.memory_space<vmem>>
        tpu.enqueue_dma source(%dma_start3A_245 : memref<40x128xf32, #tpu.memory_space<vmem>>) target(%dma_start3A_242 : memref<40x128xf32, #tpu.memory_space<hbm>>) target_semaphore(%dma_start3A_240 : memref<!tpu.dma_semaphore, #tpu.memory_space<semaphore_mem>>)
        %dma_wait3A_246 = arith.constant 2 : i32
        %dma_wait3A_247 = arith.constant 0 : i32
        %dma_wait3A_248 = arith.constant 2 : i32
        %dma_wait3A_249 = arith.constant 80 : i32
        %dma_wait3A_250 = arith.constant 0 : i32
        %dma_wait3A_251 = tpu.memref_slice %arg7[%dma_wait3A_249, %dma_wait3A_250] : memref<160x128xf32, #tpu.memory_space<vmem>> -> memref<40x128xf32, #tpu.memory_space<vmem>>
        %dma_wait3A_252 = arith.constant 0 : i32
        %dma_wait3A_253 = tpu.memref_slice %arg10[%dma_wait3A_246, %dma_wait3A_252] : memref<4x40xi32, #tpu.memory_space<vmem>> -> memref<1x40xi32, #tpu.memory_space<vmem>>
        %dma_wait3A_254 = tpu.memref_squeeze %dma_wait3A_253 : memref<1x40xi32, #tpu.memory_space<vmem>> -> memref<40xi32, #tpu.memory_space<vmem>>
        %dma_wait3A_255 = arith.constant 0 : i32
        %dma_wait3A_256 = arith.constant 0 : i32
        %dma_wait3A_257 = tpu.memref_slice %arg6[%dma_wait3A_255, %dma_wait3A_256] : memref<64x128xf32, #tpu.memory_space<vmem_shared>> -> memref<64x128xf32, #tpu.memory_space<vmem_shared>>
        %dma_wait3A_258 = tpu.memref_slice %arg15[%dma_wait3A_247, %dma_wait3A_248] : memref<3x4x!tpu.dma_semaphore, #tpu.memory_space<semaphore_mem>> -> memref<1x1x!tpu.dma_semaphore, #tpu.memory_space<semaphore_mem>>
        %dma_wait3A_259 = tpu.memref_squeeze %dma_wait3A_258 : memref<1x1x!tpu.dma_semaphore, #tpu.memory_space<semaphore_mem>> -> memref<!tpu.dma_semaphore, #tpu.memory_space<semaphore_mem>>
        tpu.wait_indirect_dma semaphore(%dma_wait3A_259 : memref<!tpu.dma_semaphore, #tpu.memory_space<semaphore_mem>>) src(%dma_wait3A_257 : memref<64x128xf32, #tpu.memory_space<vmem_shared>>) dst(%dma_wait3A_251 : memref<40x128xf32, #tpu.memory_space<vmem>>)
        %mul3A_260 = arith.constant 32 : i32
        %mul3A_261 = arith.muli %add3A_171, %mul3A_260 : i32
        %add3A_262 = arith.addi %add3A, %mul3A_261 : i32
        %mul3A_263 = arith.constant 160 : i32
        %mul3A_264 = arith.muli %add3A_262, %mul3A_263 : i32
        %add3A_265 = arith.constant 80 : i32
        %add3A_266 = arith.addi %mul3A_264, %add3A_265 : i32
        %dma_start3A_267 = arith.constant 0 : i32
        %dma_start3A_268 = arith.constant 80 : i32
        %dma_start3A_269 = arith.constant 0 : i32
        %dma_start3A_270 = tpu.memref_slice %arg7[%dma_start3A_268, %dma_start3A_269] : memref<160x128xf32, #tpu.memory_space<vmem>> -> memref<40x128xf32, #tpu.memory_space<vmem>>
        %dma_start3A_271 = arith.constant 0 : i32
        %dma_start3A_272 = tpu.memref_slice %arg5[%add3A_266, %dma_start3A_271] : memref<100000x128xf32, #tpu.memory_space<hbm>> -> memref<40x128xf32, #tpu.memory_space<hbm>>
        %dma_start3A_273 = tpu.memref_slice %arg16[%dma_start3A_267] : memref<3x!tpu.dma_semaphore, #tpu.memory_space<semaphore_mem>> -> memref<1x!tpu.dma_semaphore, #tpu.memory_space<semaphore_mem>>
        %dma_start3A_274 = tpu.memref_squeeze %dma_start3A_273 : memref<1x!tpu.dma_semaphore, #tpu.memory_space<semaphore_mem>> -> memref<!tpu.dma_semaphore, #tpu.memory_space<semaphore_mem>>
        %dma_start3A_275 = arith.constant 0 : i32
        %dma_start3A_276 = tpu.memref_slice %arg5[%add3A_266, %dma_start3A_275] : memref<100000x128xf32, #tpu.memory_space<hbm>> -> memref<40x128xf32, #tpu.memory_space<hbm>>
        %dma_start3A_277 = arith.constant 80 : i32
        %dma_start3A_278 = arith.constant 0 : i32
        %dma_start3A_279 = tpu.memref_slice %arg7[%dma_start3A_277, %dma_start3A_278] : memref<160x128xf32, #tpu.memory_space<vmem>> -> memref<40x128xf32, #tpu.memory_space<vmem>>
        tpu.enqueue_dma source(%dma_start3A_279 : memref<40x128xf32, #tpu.memory_space<vmem>>) target(%dma_start3A_276 : memref<40x128xf32, #tpu.memory_space<hbm>>) target_semaphore(%dma_start3A_274 : memref<!tpu.dma_semaphore, #tpu.memory_space<semaphore_mem>>)
        %dma_wait3A_280 = arith.constant 3 : i32
        %dma_wait3A_281 = arith.constant 0 : i32
        %dma_wait3A_282 = arith.constant 3 : i32
        %dma_wait3A_283 = arith.constant 120 : i32
        %dma_wait3A_284 = arith.constant 0 : i32
        %dma_wait3A_285 = tpu.memref_slice %arg7[%dma_wait3A_283, %dma_wait3A_284] : memref<160x128xf32, #tpu.memory_space<vmem>> -> memref<40x128xf32, #tpu.memory_space<vmem>>
        %dma_wait3A_286 = arith.constant 0 : i32
        %dma_wait3A_287 = tpu.memref_slice %arg10[%dma_wait3A_280, %dma_wait3A_286] : memref<4x40xi32, #tpu.memory_space<vmem>> -> memref<1x40xi32, #tpu.memory_space<vmem>>
        %dma_wait3A_288 = tpu.memref_squeeze %dma_wait3A_287 : memref<1x40xi32, #tpu.memory_space<vmem>> -> memref<40xi32, #tpu.memory_space<vmem>>
        %dma_wait3A_289 = arith.constant 0 : i32
        %dma_wait3A_290 = arith.constant 0 : i32
        %dma_wait3A_291 = tpu.memref_slice %arg6[%dma_wait3A_289, %dma_wait3A_290] : memref<64x128xf32, #tpu.memory_space<vmem_shared>> -> memref<64x128xf32, #tpu.memory_space<vmem_shared>>
        %dma_wait3A_292 = tpu.memref_slice %arg15[%dma_wait3A_281, %dma_wait3A_282] : memref<3x4x!tpu.dma_semaphore, #tpu.memory_space<semaphore_mem>> -> memref<1x1x!tpu.dma_semaphore, #tpu.memory_space<semaphore_mem>>
        %dma_wait3A_293 = tpu.memref_squeeze %dma_wait3A_292 : memref<1x1x!tpu.dma_semaphore, #tpu.memory_space<semaphore_mem>> -> memref<!tpu.dma_semaphore, #tpu.memory_space<semaphore_mem>>
        tpu.wait_indirect_dma semaphore(%dma_wait3A_293 : memref<!tpu.dma_semaphore, #tpu.memory_space<semaphore_mem>>) src(%dma_wait3A_291 : memref<64x128xf32, #tpu.memory_space<vmem_shared>>) dst(%dma_wait3A_285 : memref<40x128xf32, #tpu.memory_space<vmem>>)
        %mul3A_294 = arith.constant 32 : i32
        %mul3A_295 = arith.muli %add3A_171, %mul3A_294 : i32
        %add3A_296 = arith.addi %add3A, %mul3A_295 : i32
        %mul3A_297 = arith.constant 160 : i32
        %mul3A_298 = arith.muli %add3A_296, %mul3A_297 : i32
        %add3A_299 = arith.constant 120 : i32
        %add3A_300 = arith.addi %mul3A_298, %add3A_299 : i32
        %dma_start3A_301 = arith.constant 0 : i32
        %dma_start3A_302 = arith.constant 120 : i32
        %dma_start3A_303 = arith.constant 0 : i32
        %dma_start3A_304 = tpu.memref_slice %arg7[%dma_start3A_302, %dma_start3A_303] : memref<160x128xf32, #tpu.memory_space<vmem>> -> memref<40x128xf32, #tpu.memory_space<vmem>>
        %dma_start3A_305 = arith.constant 0 : i32
        %dma_start3A_306 = tpu.memref_slice %arg5[%add3A_300, %dma_start3A_305] : memref<100000x128xf32, #tpu.memory_space<hbm>> -> memref<40x128xf32, #tpu.memory_space<hbm>>
        %dma_start3A_307 = tpu.memref_slice %arg16[%dma_start3A_301] : memref<3x!tpu.dma_semaphore, #tpu.memory_space<semaphore_mem>> -> memref<1x!tpu.dma_semaphore, #tpu.memory_space<semaphore_mem>>
        %dma_start3A_308 = tpu.memref_squeeze %dma_start3A_307 : memref<1x!tpu.dma_semaphore, #tpu.memory_space<semaphore_mem>> -> memref<!tpu.dma_semaphore, #tpu.memory_space<semaphore_mem>>
        %dma_start3A_309 = arith.constant 0 : i32
        %dma_start3A_310 = tpu.memref_slice %arg5[%add3A_300, %dma_start3A_309] : memref<100000x128xf32, #tpu.memory_space<hbm>> -> memref<40x128xf32, #tpu.memory_space<hbm>>
        %dma_start3A_311 = arith.constant 120 : i32
        %dma_start3A_312 = arith.constant 0 : i32
        %dma_start3A_313 = tpu.memref_slice %arg7[%dma_start3A_311, %dma_start3A_312] : memref<160x128xf32, #tpu.memory_space<vmem>> -> memref<40x128xf32, #tpu.memory_space<vmem>>
        tpu.enqueue_dma source(%dma_start3A_313 : memref<40x128xf32, #tpu.memory_space<vmem>>) target(%dma_start3A_310 : memref<40x128xf32, #tpu.memory_space<hbm>>) target_semaphore(%dma_start3A_308 : memref<!tpu.dma_semaphore, #tpu.memory_space<semaphore_mem>>)
        %add3A_314 = arith.constant 1 : i32
        %add3A_315 = arith.addi %add3A_171, %add3A_314 : i32
        %lt3A_316 = arith.cmpi slt, %add3A_315, %select_n3A : i32
        %convert_element_type3A_317 = arith.extui %lt3A_316 : i1 to i32
        %cond3A_318 = arith.constant 0 : i32
        %cond3A_319 = arith.cmpi ne, %convert_element_type3A_317, %cond3A_318 : i32
        scf.if %cond3A_319 {
          %add3A_320 = arith.constant 1 : i32
          %add3A_321 = arith.addi %add3A_171, %add3A_320 : i32
          %mul3A_322 = arith.constant 32 : i32
          %mul3A_323 = arith.muli %add3A_321, %mul3A_322 : i32
          %add3A_324 = arith.addi %add3A, %mul3A_323 : i32
          %mul3A_325 = arith.constant 160 : i32
          %mul3A_326 = arith.muli %add3A_324, %mul3A_325 : i32
          %dma_wait3A_327 = arith.constant 1 : i32
          %dma_wait3A_328 = arith.constant 0 : i32
          %dma_wait3A_329 = tpu.memref_slice %arg2[%mul3A_326, %dma_wait3A_328] : memref<100000x128xf32, #tpu.memory_space<hbm>> -> memref<160x128xf32, #tpu.memory_space<hbm>>
          %dma_wait3A_330 = tpu.memref_slice %arg13[%dma_wait3A_327] : memref<3x!tpu.dma_semaphore, #tpu.memory_space<semaphore_mem>> -> memref<1x!tpu.dma_semaphore, #tpu.memory_space<semaphore_mem>>
          %dma_wait3A_331 = tpu.memref_squeeze %dma_wait3A_330 : memref<1x!tpu.dma_semaphore, #tpu.memory_space<semaphore_mem>> -> memref<!tpu.dma_semaphore, #tpu.memory_space<semaphore_mem>>
          %dma_wait3A_332 = arith.constant 0 : i32
          %dma_wait3A_333 = tpu.memref_slice %arg2[%mul3A_326, %dma_wait3A_332] : memref<100000x128xf32, #tpu.memory_space<hbm>> -> memref<160x128xf32, #tpu.memory_space<hbm>>
          tpu.wait_dma2 semaphore(%dma_wait3A_331 : memref<!tpu.dma_semaphore, #tpu.memory_space<semaphore_mem>>) src(%dma_wait3A_333 : memref<160x128xf32, #tpu.memory_space<hbm>>) dst(%arg8 : memref<160x128xf32, #tpu.memory_space<vmem>>)
          %add3A_334 = arith.constant 1 : i32
          %add3A_335 = arith.addi %add3A_171, %add3A_334 : i32
          %mul3A_336 = arith.constant 32 : i32
          %mul3A_337 = arith.muli %add3A_335, %mul3A_336 : i32
          %add3A_338 = arith.addi %add3A, %mul3A_337 : i32
          %dma_wait3A_339 = arith.constant 1 : i32
          %dma_wait3A_340 = arith.constant 0 : i32
          %dma_wait3A_341 = arith.constant 0 : i32
          %dma_wait3A_342 = tpu.memref_slice %arg3[%add3A_338, %dma_wait3A_340, %dma_wait3A_341] : memref<625x4x40xi32, #tpu.memory_space<hbm>> -> memref<1x4x40xi32, #tpu.memory_space<hbm>>
          %dma_wait3A_343 = tpu.memref_squeeze %dma_wait3A_342 : memref<1x4x40xi32, #tpu.memory_space<hbm>> -> memref<4x40xi32, #tpu.memory_space<hbm>>
          %dma_wait3A_344 = tpu.memref_slice %arg14[%dma_wait3A_339] : memref<3x!tpu.dma_semaphore, #tpu.memory_space<semaphore_mem>> -> memref<1x!tpu.dma_semaphore, #tpu.memory_space<semaphore_mem>>
          %dma_wait3A_345 = tpu.memref_squeeze %dma_wait3A_344 : memref<1x!tpu.dma_semaphore, #tpu.memory_space<semaphore_mem>> -> memref<!tpu.dma_semaphore, #tpu.memory_space<semaphore_mem>>
          %dma_wait3A_346 = arith.constant 0 : i32
          %dma_wait3A_347 = arith.constant 0 : i32
          %dma_wait3A_348 = tpu.memref_slice %arg3[%add3A_338, %dma_wait3A_346, %dma_wait3A_347] : memref<625x4x40xi32, #tpu.memory_space<hbm>> -> memref<1x4x40xi32, #tpu.memory_space<hbm>>
          %dma_wait3A_349 = tpu.memref_squeeze %dma_wait3A_348 : memref<1x4x40xi32, #tpu.memory_space<hbm>> -> memref<4x40xi32, #tpu.memory_space<hbm>>
          tpu.wait_dma2 semaphore(%dma_wait3A_345 : memref<!tpu.dma_semaphore, #tpu.memory_space<semaphore_mem>>) src(%dma_wait3A_349 : memref<4x40xi32, #tpu.memory_space<hbm>>) dst(%arg11 : memref<4x40xi32, #tpu.memory_space<vmem>>)
          %dma_start3A_350 = arith.constant 0 : i32
          %dma_start3A_351 = arith.constant 1 : i32
          %dma_start3A_352 = arith.constant 0 : i32
          %dma_start3A_353 = arith.constant 0 : i32
          %dma_start3A_354 = arith.constant 0 : i32
          %dma_start3A_355 = tpu.memref_slice %arg8[%dma_start3A_353, %dma_start3A_354] : memref<160x128xf32, #tpu.memory_space<vmem>> -> memref<40x128xf32, #tpu.memory_space<vmem>>
          %dma_start3A_356 = arith.constant 0 : i32
          %dma_start3A_357 = tpu.memref_slice %arg11[%dma_start3A_350, %dma_start3A_356] : memref<4x40xi32, #tpu.memory_space<vmem>> -> memref<1x40xi32, #tpu.memory_space<vmem>>
          %dma_start3A_358 = tpu.memref_squeeze %dma_start3A_357 : memref<1x40xi32, #tpu.memory_space<vmem>> -> memref<40xi32, #tpu.memory_space<vmem>>
          %dma_start3A_359 = arith.constant 0 : i32
          %dma_start3A_360 = arith.constant 0 : i32
          %dma_start3A_361 = tpu.memref_slice %arg6[%dma_start3A_359, %dma_start3A_360] : memref<64x128xf32, #tpu.memory_space<vmem_shared>> -> memref<64x128xf32, #tpu.memory_space<vmem_shared>>
          %dma_start3A_362 = tpu.memref_slice %arg15[%dma_start3A_351, %dma_start3A_352] : memref<3x4x!tpu.dma_semaphore, #tpu.memory_space<semaphore_mem>> -> memref<1x1x!tpu.dma_semaphore, #tpu.memory_space<semaphore_mem>>
          %dma_start3A_363 = tpu.memref_squeeze %dma_start3A_362 : memref<1x1x!tpu.dma_semaphore, #tpu.memory_space<semaphore_mem>> -> memref<!tpu.dma_semaphore, #tpu.memory_space<semaphore_mem>>
          tpu.enqueue_indirect_dma source(%dma_start3A_361 : memref<64x128xf32, #tpu.memory_space<vmem_shared>>) target(%dma_start3A_355 : memref<40x128xf32, #tpu.memory_space<vmem>>) offsets(%dma_start3A_358 : memref<40xi32, #tpu.memory_space<vmem>>) semaphore(%dma_start3A_363 : memref<!tpu.dma_semaphore, #tpu.memory_space<semaphore_mem>>) {add = true}
          %dma_start3A_364 = arith.constant 1 : i32
          %dma_start3A_365 = arith.constant 1 : i32
          %dma_start3A_366 = arith.constant 1 : i32
          %dma_start3A_367 = arith.constant 40 : i32
          %dma_start3A_368 = arith.constant 0 : i32
          %dma_start3A_369 = tpu.memref_slice %arg8[%dma_start3A_367, %dma_start3A_368] : memref<160x128xf32, #tpu.memory_space<vmem>> -> memref<40x128xf32, #tpu.memory_space<vmem>>
          %dma_start3A_370 = arith.constant 0 : i32
          %dma_start3A_371 = tpu.memref_slice %arg11[%dma_start3A_364, %dma_start3A_370] : memref<4x40xi32, #tpu.memory_space<vmem>> -> memref<1x40xi32, #tpu.memory_space<vmem>>
          %dma_start3A_372 = tpu.memref_squeeze %dma_start3A_371 : memref<1x40xi32, #tpu.memory_space<vmem>> -> memref<40xi32, #tpu.memory_space<vmem>>
          %dma_start3A_373 = arith.constant 0 : i32
          %dma_start3A_374 = arith.constant 0 : i32
          %dma_start3A_375 = tpu.memref_slice %arg6[%dma_start3A_373, %dma_start3A_374] : memref<64x128xf32, #tpu.memory_space<vmem_shared>> -> memref<64x128xf32, #tpu.memory_space<vmem_shared>>
          %dma_start3A_376 = tpu.memref_slice %arg15[%dma_start3A_365, %dma_start3A_366] : memref<3x4x!tpu.dma_semaphore, #tpu.memory_space<semaphore_mem>> -> memref<1x1x!tpu.dma_semaphore, #tpu.memory_space<semaphore_mem>>
          %dma_start3A_377 = tpu.memref_squeeze %dma_start3A_376 : memref<1x1x!tpu.dma_semaphore, #tpu.memory_space<semaphore_mem>> -> memref<!tpu.dma_semaphore, #tpu.memory_space<semaphore_mem>>
          tpu.enqueue_indirect_dma source(%dma_start3A_375 : memref<64x128xf32, #tpu.memory_space<vmem_shared>>) target(%dma_start3A_369 : memref<40x128xf32, #tpu.memory_space<vmem>>) offsets(%dma_start3A_372 : memref<40xi32, #tpu.memory_space<vmem>>) semaphore(%dma_start3A_377 : memref<!tpu.dma_semaphore, #tpu.memory_space<semaphore_mem>>) {add = true}
          %dma_start3A_378 = arith.constant 2 : i32
          %dma_start3A_379 = arith.constant 1 : i32
          %dma_start3A_380 = arith.constant 2 : i32
          %dma_start3A_381 = arith.constant 80 : i32
          %dma_start3A_382 = arith.constant 0 : i32
          %dma_start3A_383 = tpu.memref_slice %arg8[%dma_start3A_381, %dma_start3A_382] : memref<160x128xf32, #tpu.memory_space<vmem>> -> memref<40x128xf32, #tpu.memory_space<vmem>>
          %dma_start3A_384 = arith.constant 0 : i32
          %dma_start3A_385 = tpu.memref_slice %arg11[%dma_start3A_378, %dma_start3A_384] : memref<4x40xi32, #tpu.memory_space<vmem>> -> memref<1x40xi32, #tpu.memory_space<vmem>>
          %dma_start3A_386 = tpu.memref_squeeze %dma_start3A_385 : memref<1x40xi32, #tpu.memory_space<vmem>> -> memref<40xi32, #tpu.memory_space<vmem>>
          %dma_start3A_387 = arith.constant 0 : i32
          %dma_start3A_388 = arith.constant 0 : i32
          %dma_start3A_389 = tpu.memref_slice %arg6[%dma_start3A_387, %dma_start3A_388] : memref<64x128xf32, #tpu.memory_space<vmem_shared>> -> memref<64x128xf32, #tpu.memory_space<vmem_shared>>
          %dma_start3A_390 = tpu.memref_slice %arg15[%dma_start3A_379, %dma_start3A_380] : memref<3x4x!tpu.dma_semaphore, #tpu.memory_space<semaphore_mem>> -> memref<1x1x!tpu.dma_semaphore, #tpu.memory_space<semaphore_mem>>
          %dma_start3A_391 = tpu.memref_squeeze %dma_start3A_390 : memref<1x1x!tpu.dma_semaphore, #tpu.memory_space<semaphore_mem>> -> memref<!tpu.dma_semaphore, #tpu.memory_space<semaphore_mem>>
          tpu.enqueue_indirect_dma source(%dma_start3A_389 : memref<64x128xf32, #tpu.memory_space<vmem_shared>>) target(%dma_start3A_383 : memref<40x128xf32, #tpu.memory_space<vmem>>) offsets(%dma_start3A_386 : memref<40xi32, #tpu.memory_space<vmem>>) semaphore(%dma_start3A_391 : memref<!tpu.dma_semaphore, #tpu.memory_space<semaphore_mem>>) {add = true}
          %dma_start3A_392 = arith.constant 3 : i32
          %dma_start3A_393 = arith.constant 1 : i32
          %dma_start3A_394 = arith.constant 3 : i32
          %dma_start3A_395 = arith.constant 120 : i32
          %dma_start3A_396 = arith.constant 0 : i32
          %dma_start3A_397 = tpu.memref_slice %arg8[%dma_start3A_395, %dma_start3A_396] : memref<160x128xf32, #tpu.memory_space<vmem>> -> memref<40x128xf32, #tpu.memory_space<vmem>>
          %dma_start3A_398 = arith.constant 0 : i32
          %dma_start3A_399 = tpu.memref_slice %arg11[%dma_start3A_392, %dma_start3A_398] : memref<4x40xi32, #tpu.memory_space<vmem>> -> memref<1x40xi32, #tpu.memory_space<vmem>>
          %dma_start3A_400 = tpu.memref_squeeze %dma_start3A_399 : memref<1x40xi32, #tpu.memory_space<vmem>> -> memref<40xi32, #tpu.memory_space<vmem>>
          %dma_start3A_401 = arith.constant 0 : i32
          %dma_start3A_402 = arith.constant 0 : i32
          %dma_start3A_403 = tpu.memref_slice %arg6[%dma_start3A_401, %dma_start3A_402] : memref<64x128xf32, #tpu.memory_space<vmem_shared>> -> memref<64x128xf32, #tpu.memory_space<vmem_shared>>
          %dma_start3A_404 = tpu.memref_slice %arg15[%dma_start3A_393, %dma_start3A_394] : memref<3x4x!tpu.dma_semaphore, #tpu.memory_space<semaphore_mem>> -> memref<1x1x!tpu.dma_semaphore, #tpu.memory_space<semaphore_mem>>
          %dma_start3A_405 = tpu.memref_squeeze %dma_start3A_404 : memref<1x1x!tpu.dma_semaphore, #tpu.memory_space<semaphore_mem>> -> memref<!tpu.dma_semaphore, #tpu.memory_space<semaphore_mem>>
          tpu.enqueue_indirect_dma source(%dma_start3A_403 : memref<64x128xf32, #tpu.memory_space<vmem_shared>>) target(%dma_start3A_397 : memref<40x128xf32, #tpu.memory_space<vmem>>) offsets(%dma_start3A_400 : memref<40xi32, #tpu.memory_space<vmem>>) semaphore(%dma_start3A_405 : memref<!tpu.dma_semaphore, #tpu.memory_space<semaphore_mem>>) {add = true}
        } else {
        }
      } else {
      }
      %add3A_158 = arith.constant 1 : i32
      %add3A_159 = arith.addi %mul3A_152, %add3A_158 : i32
      %lt3A_160 = arith.cmpi slt, %add3A_159, %select_n3A : i32
      %convert_element_type3A_161 = arith.extui %lt3A_160 : i1 to i32
      %cond3A_162 = arith.constant 0 : i32
      %cond3A_163 = arith.cmpi ne, %convert_element_type3A_161, %cond3A_162 : i32
      scf.if %cond3A_163 {
        %add3A_170 = arith.constant 1 : i32
        %add3A_171 = arith.addi %mul3A_152, %add3A_170 : i32
        %add3A_172 = arith.constant 2 : i32
        %add3A_173 = arith.addi %add3A_171, %add3A_172 : i32
        %lt3A_174 = arith.cmpi slt, %add3A_173, %select_n3A : i32
        %convert_element_type3A_175 = arith.extui %lt3A_174 : i1 to i32
        %cond3A_176 = arith.constant 0 : i32
        %cond3A_177 = arith.cmpi ne, %convert_element_type3A_175, %cond3A_176 : i32
        scf.if %cond3A_177 {
          %ge3A_320 = arith.constant 1 : i32
          %ge3A_321 = arith.cmpi sge, %add3A_171, %ge3A_320 : i32
          %convert_element_type3A_322 = arith.extui %ge3A_321 : i1 to i32
          %cond3A_323 = arith.constant 0 : i32
          %cond3A_324 = arith.cmpi ne, %convert_element_type3A_322, %cond3A_323 : i32
          scf.if %cond3A_324 {
            %sub3A_355 = arith.constant 1 : i32
            %sub3A_356 = arith.subi %add3A_171, %sub3A_355 : i32
            %mul3A_357 = arith.constant 32 : i32
            %mul3A_358 = arith.muli %sub3A_356, %mul3A_357 : i32
            %add3A_359 = arith.addi %add3A, %mul3A_358 : i32
            %mul3A_360 = arith.constant 160 : i32
            %mul3A_361 = arith.muli %add3A_359, %mul3A_360 : i32
            %dma_wait3A_362 = arith.constant 0 : i32
            %dma_wait3A_363 = arith.constant 0 : i32
            %dma_wait3A_364 = tpu.memref_slice %arg5[%mul3A_361, %dma_wait3A_363] : memref<100000x128xf32, #tpu.memory_space<hbm>> -> memref<160x128xf32, #tpu.memory_space<hbm>>
            %dma_wait3A_365 = tpu.memref_slice %arg16[%dma_wait3A_362] : memref<3x!tpu.dma_semaphore, #tpu.memory_space<semaphore_mem>> -> memref<1x!tpu.dma_semaphore, #tpu.memory_space<semaphore_mem>>
            %dma_wait3A_366 = tpu.memref_squeeze %dma_wait3A_365 : memref<1x!tpu.dma_semaphore, #tpu.memory_space<semaphore_mem>> -> memref<!tpu.dma_semaphore, #tpu.memory_space<semaphore_mem>>
            %dma_wait3A_367 = arith.constant 0 : i32
            %dma_wait3A_368 = tpu.memref_slice %arg5[%mul3A_361, %dma_wait3A_367] : memref<100000x128xf32, #tpu.memory_space<hbm>> -> memref<160x128xf32, #tpu.memory_space<hbm>>
            tpu.wait_dma2 semaphore(%dma_wait3A_366 : memref<!tpu.dma_semaphore, #tpu.memory_space<semaphore_mem>>) src(%arg7 : memref<160x128xf32, #tpu.memory_space<vmem>>) dst(%dma_wait3A_368 : memref<160x128xf32, #tpu.memory_space<hbm>>)
          } else {
          }
          %add3A_325 = arith.constant 2 : i32
          %add3A_326 = arith.addi %add3A_171, %add3A_325 : i32
          %mul3A_327 = arith.constant 32 : i32
          %mul3A_328 = arith.muli %add3A_326, %mul3A_327 : i32
          %add3A_329 = arith.addi %add3A, %mul3A_328 : i32
          %mul3A_330 = arith.constant 160 : i32
          %mul3A_331 = arith.muli %add3A_329, %mul3A_330 : i32
          %dma_start3A_332 = arith.constant 0 : i32
          %dma_start3A_333 = arith.constant 0 : i32
          %dma_start3A_334 = tpu.memref_slice %arg2[%mul3A_331, %dma_start3A_333] : memref<100000x128xf32, #tpu.memory_space<hbm>> -> memref<160x128xf32, #tpu.memory_space<hbm>>
          %dma_start3A_335 = tpu.memref_slice %arg13[%dma_start3A_332] : memref<3x!tpu.dma_semaphore, #tpu.memory_space<semaphore_mem>> -> memref<1x!tpu.dma_semaphore, #tpu.memory_space<semaphore_mem>>
          %dma_start3A_336 = tpu.memref_squeeze %dma_start3A_335 : memref<1x!tpu.dma_semaphore, #tpu.memory_space<semaphore_mem>> -> memref<!tpu.dma_semaphore, #tpu.memory_space<semaphore_mem>>
          %dma_start3A_337 = arith.constant 0 : i32
          %dma_start3A_338 = tpu.memref_slice %arg2[%mul3A_331, %dma_start3A_337] : memref<100000x128xf32, #tpu.memory_space<hbm>> -> memref<160x128xf32, #tpu.memory_space<hbm>>
          tpu.enqueue_dma source(%dma_start3A_338 : memref<160x128xf32, #tpu.memory_space<hbm>>) target(%arg7 : memref<160x128xf32, #tpu.memory_space<vmem>>) target_semaphore(%dma_start3A_336 : memref<!tpu.dma_semaphore, #tpu.memory_space<semaphore_mem>>)
          %add3A_339 = arith.constant 2 : i32
          %add3A_340 = arith.addi %add3A_171, %add3A_339 : i32
          %mul3A_341 = arith.constant 32 : i32
          %mul3A_342 = arith.muli %add3A_340, %mul3A_341 : i32
          %add3A_343 = arith.addi %add3A, %mul3A_342 : i32
          %dma_start3A_344 = arith.constant 0 : i32
          %dma_start3A_345 = arith.constant 0 : i32
          %dma_start3A_346 = arith.constant 0 : i32
          %dma_start3A_347 = tpu.memref_slice %arg3[%add3A_343, %dma_start3A_345, %dma_start3A_346] : memref<625x4x40xi32, #tpu.memory_space<hbm>> -> memref<1x4x40xi32, #tpu.memory_space<hbm>>
          %dma_start3A_348 = tpu.memref_squeeze %dma_start3A_347 : memref<1x4x40xi32, #tpu.memory_space<hbm>> -> memref<4x40xi32, #tpu.memory_space<hbm>>
          %dma_start3A_349 = tpu.memref_slice %arg14[%dma_start3A_344] : memref<3x!tpu.dma_semaphore, #tpu.memory_space<semaphore_mem>> -> memref<1x!tpu.dma_semaphore, #tpu.memory_space<semaphore_mem>>
          %dma_start3A_350 = tpu.memref_squeeze %dma_start3A_349 : memref<1x!tpu.dma_semaphore, #tpu.memory_space<semaphore_mem>> -> memref<!tpu.dma_semaphore, #tpu.memory_space<semaphore_mem>>
          %dma_start3A_351 = arith.constant 0 : i32
          %dma_start3A_352 = arith.constant 0 : i32
          %dma_start3A_353 = tpu.memref_slice %arg3[%add3A_343, %dma_start3A_351, %dma_start3A_352] : memref<625x4x40xi32, #tpu.memory_space<hbm>> -> memref<1x4x40xi32, #tpu.memory_space<hbm>>
          %dma_start3A_354 = tpu.memref_squeeze %dma_start3A_353 : memref<1x4x40xi32, #tpu.memory_space<hbm>> -> memref<4x40xi32, #tpu.memory_space<hbm>>
          tpu.enqueue_dma source(%dma_start3A_354 : memref<4x40xi32, #tpu.memory_space<hbm>>) target(%arg10 : memref<4x40xi32, #tpu.memory_space<vmem>>) target_semaphore(%dma_start3A_350 : memref<!tpu.dma_semaphore, #tpu.memory_space<semaphore_mem>>)
        } else {
        }
        %dma_wait3A_178 = arith.constant 0 : i32
        %dma_wait3A_179 = arith.constant 1 : i32
        %dma_wait3A_180 = arith.constant 0 : i32
        %dma_wait3A_181 = arith.constant 0 : i32
        %dma_wait3A_182 = arith.constant 0 : i32
        %dma_wait3A_183 = tpu.memref_slice %arg8[%dma_wait3A_181, %dma_wait3A_182] : memref<160x128xf32, #tpu.memory_space<vmem>> -> memref<40x128xf32, #tpu.memory_space<vmem>>
        %dma_wait3A_184 = arith.constant 0 : i32
        %dma_wait3A_185 = tpu.memref_slice %arg11[%dma_wait3A_178, %dma_wait3A_184] : memref<4x40xi32, #tpu.memory_space<vmem>> -> memref<1x40xi32, #tpu.memory_space<vmem>>
        %dma_wait3A_186 = tpu.memref_squeeze %dma_wait3A_185 : memref<1x40xi32, #tpu.memory_space<vmem>> -> memref<40xi32, #tpu.memory_space<vmem>>
        %dma_wait3A_187 = arith.constant 0 : i32
        %dma_wait3A_188 = arith.constant 0 : i32
        %dma_wait3A_189 = tpu.memref_slice %arg6[%dma_wait3A_187, %dma_wait3A_188] : memref<64x128xf32, #tpu.memory_space<vmem_shared>> -> memref<64x128xf32, #tpu.memory_space<vmem_shared>>
        %dma_wait3A_190 = tpu.memref_slice %arg15[%dma_wait3A_179, %dma_wait3A_180] : memref<3x4x!tpu.dma_semaphore, #tpu.memory_space<semaphore_mem>> -> memref<1x1x!tpu.dma_semaphore, #tpu.memory_space<semaphore_mem>>
        %dma_wait3A_191 = tpu.memref_squeeze %dma_wait3A_190 : memref<1x1x!tpu.dma_semaphore, #tpu.memory_space<semaphore_mem>> -> memref<!tpu.dma_semaphore, #tpu.memory_space<semaphore_mem>>
        tpu.wait_indirect_dma semaphore(%dma_wait3A_191 : memref<!tpu.dma_semaphore, #tpu.memory_space<semaphore_mem>>) src(%dma_wait3A_189 : memref<64x128xf32, #tpu.memory_space<vmem_shared>>) dst(%dma_wait3A_183 : memref<40x128xf32, #tpu.memory_space<vmem>>)
        %mul3A_192 = arith.constant 32 : i32
        %mul3A_193 = arith.muli %add3A_171, %mul3A_192 : i32
        %add3A_194 = arith.addi %add3A, %mul3A_193 : i32
        %mul3A_195 = arith.constant 160 : i32
        %mul3A_196 = arith.muli %add3A_194, %mul3A_195 : i32
        %add3A_197 = arith.constant 0 : i32
        %add3A_198 = arith.addi %mul3A_196, %add3A_197 : i32
        %dma_start3A_199 = arith.constant 1 : i32
        %dma_start3A_200 = arith.constant 0 : i32
        %dma_start3A_201 = arith.constant 0 : i32
        %dma_start3A_202 = tpu.memref_slice %arg8[%dma_start3A_200, %dma_start3A_201] : memref<160x128xf32, #tpu.memory_space<vmem>> -> memref<40x128xf32, #tpu.memory_space<vmem>>
        %dma_start3A_203 = arith.constant 0 : i32
        %dma_start3A_204 = tpu.memref_slice %arg5[%add3A_198, %dma_start3A_203] : memref<100000x128xf32, #tpu.memory_space<hbm>> -> memref<40x128xf32, #tpu.memory_space<hbm>>
        %dma_start3A_205 = tpu.memref_slice %arg16[%dma_start3A_199] : memref<3x!tpu.dma_semaphore, #tpu.memory_space<semaphore_mem>> -> memref<1x!tpu.dma_semaphore, #tpu.memory_space<semaphore_mem>>
        %dma_start3A_206 = tpu.memref_squeeze %dma_start3A_205 : memref<1x!tpu.dma_semaphore, #tpu.memory_space<semaphore_mem>> -> memref<!tpu.dma_semaphore, #tpu.memory_space<semaphore_mem>>
        %dma_start3A_207 = arith.constant 0 : i32
        %dma_start3A_208 = tpu.memref_slice %arg5[%add3A_198, %dma_start3A_207] : memref<100000x128xf32, #tpu.memory_space<hbm>> -> memref<40x128xf32, #tpu.memory_space<hbm>>
        %dma_start3A_209 = arith.constant 0 : i32
        %dma_start3A_210 = arith.constant 0 : i32
        %dma_start3A_211 = tpu.memref_slice %arg8[%dma_start3A_209, %dma_start3A_210] : memref<160x128xf32, #tpu.memory_space<vmem>> -> memref<40x128xf32, #tpu.memory_space<vmem>>
        tpu.enqueue_dma source(%dma_start3A_211 : memref<40x128xf32, #tpu.memory_space<vmem>>) target(%dma_start3A_208 : memref<40x128xf32, #tpu.memory_space<hbm>>) target_semaphore(%dma_start3A_206 : memref<!tpu.dma_semaphore, #tpu.memory_space<semaphore_mem>>)
        %dma_wait3A_212 = arith.constant 1 : i32
        %dma_wait3A_213 = arith.constant 1 : i32
        %dma_wait3A_214 = arith.constant 1 : i32
        %dma_wait3A_215 = arith.constant 40 : i32
        %dma_wait3A_216 = arith.constant 0 : i32
        %dma_wait3A_217 = tpu.memref_slice %arg8[%dma_wait3A_215, %dma_wait3A_216] : memref<160x128xf32, #tpu.memory_space<vmem>> -> memref<40x128xf32, #tpu.memory_space<vmem>>
        %dma_wait3A_218 = arith.constant 0 : i32
        %dma_wait3A_219 = tpu.memref_slice %arg11[%dma_wait3A_212, %dma_wait3A_218] : memref<4x40xi32, #tpu.memory_space<vmem>> -> memref<1x40xi32, #tpu.memory_space<vmem>>
        %dma_wait3A_220 = tpu.memref_squeeze %dma_wait3A_219 : memref<1x40xi32, #tpu.memory_space<vmem>> -> memref<40xi32, #tpu.memory_space<vmem>>
        %dma_wait3A_221 = arith.constant 0 : i32
        %dma_wait3A_222 = arith.constant 0 : i32
        %dma_wait3A_223 = tpu.memref_slice %arg6[%dma_wait3A_221, %dma_wait3A_222] : memref<64x128xf32, #tpu.memory_space<vmem_shared>> -> memref<64x128xf32, #tpu.memory_space<vmem_shared>>
        %dma_wait3A_224 = tpu.memref_slice %arg15[%dma_wait3A_213, %dma_wait3A_214] : memref<3x4x!tpu.dma_semaphore, #tpu.memory_space<semaphore_mem>> -> memref<1x1x!tpu.dma_semaphore, #tpu.memory_space<semaphore_mem>>
        %dma_wait3A_225 = tpu.memref_squeeze %dma_wait3A_224 : memref<1x1x!tpu.dma_semaphore, #tpu.memory_space<semaphore_mem>> -> memref<!tpu.dma_semaphore, #tpu.memory_space<semaphore_mem>>
        tpu.wait_indirect_dma semaphore(%dma_wait3A_225 : memref<!tpu.dma_semaphore, #tpu.memory_space<semaphore_mem>>) src(%dma_wait3A_223 : memref<64x128xf32, #tpu.memory_space<vmem_shared>>) dst(%dma_wait3A_217 : memref<40x128xf32, #tpu.memory_space<vmem>>)
        %mul3A_226 = arith.constant 32 : i32
        %mul3A_227 = arith.muli %add3A_171, %mul3A_226 : i32
        %add3A_228 = arith.addi %add3A, %mul3A_227 : i32
        %mul3A_229 = arith.constant 160 : i32
        %mul3A_230 = arith.muli %add3A_228, %mul3A_229 : i32
        %add3A_231 = arith.constant 40 : i32
        %add3A_232 = arith.addi %mul3A_230, %add3A_231 : i32
        %dma_start3A_233 = arith.constant 1 : i32
        %dma_start3A_234 = arith.constant 40 : i32
        %dma_start3A_235 = arith.constant 0 : i32
        %dma_start3A_236 = tpu.memref_slice %arg8[%dma_start3A_234, %dma_start3A_235] : memref<160x128xf32, #tpu.memory_space<vmem>> -> memref<40x128xf32, #tpu.memory_space<vmem>>
        %dma_start3A_237 = arith.constant 0 : i32
        %dma_start3A_238 = tpu.memref_slice %arg5[%add3A_232, %dma_start3A_237] : memref<100000x128xf32, #tpu.memory_space<hbm>> -> memref<40x128xf32, #tpu.memory_space<hbm>>
        %dma_start3A_239 = tpu.memref_slice %arg16[%dma_start3A_233] : memref<3x!tpu.dma_semaphore, #tpu.memory_space<semaphore_mem>> -> memref<1x!tpu.dma_semaphore, #tpu.memory_space<semaphore_mem>>
        %dma_start3A_240 = tpu.memref_squeeze %dma_start3A_239 : memref<1x!tpu.dma_semaphore, #tpu.memory_space<semaphore_mem>> -> memref<!tpu.dma_semaphore, #tpu.memory_space<semaphore_mem>>
        %dma_start3A_241 = arith.constant 0 : i32
        %dma_start3A_242 = tpu.memref_slice %arg5[%add3A_232, %dma_start3A_241] : memref<100000x128xf32, #tpu.memory_space<hbm>> -> memref<40x128xf32, #tpu.memory_space<hbm>>
        %dma_start3A_243 = arith.constant 40 : i32
        %dma_start3A_244 = arith.constant 0 : i32
        %dma_start3A_245 = tpu.memref_slice %arg8[%dma_start3A_243, %dma_start3A_244] : memref<160x128xf32, #tpu.memory_space<vmem>> -> memref<40x128xf32, #tpu.memory_space<vmem>>
        tpu.enqueue_dma source(%dma_start3A_245 : memref<40x128xf32, #tpu.memory_space<vmem>>) target(%dma_start3A_242 : memref<40x128xf32, #tpu.memory_space<hbm>>) target_semaphore(%dma_start3A_240 : memref<!tpu.dma_semaphore, #tpu.memory_space<semaphore_mem>>)
        %dma_wait3A_246 = arith.constant 2 : i32
        %dma_wait3A_247 = arith.constant 1 : i32
        %dma_wait3A_248 = arith.constant 2 : i32
        %dma_wait3A_249 = arith.constant 80 : i32
        %dma_wait3A_250 = arith.constant 0 : i32
        %dma_wait3A_251 = tpu.memref_slice %arg8[%dma_wait3A_249, %dma_wait3A_250] : memref<160x128xf32, #tpu.memory_space<vmem>> -> memref<40x128xf32, #tpu.memory_space<vmem>>
        %dma_wait3A_252 = arith.constant 0 : i32
        %dma_wait3A_253 = tpu.memref_slice %arg11[%dma_wait3A_246, %dma_wait3A_252] : memref<4x40xi32, #tpu.memory_space<vmem>> -> memref<1x40xi32, #tpu.memory_space<vmem>>
        %dma_wait3A_254 = tpu.memref_squeeze %dma_wait3A_253 : memref<1x40xi32, #tpu.memory_space<vmem>> -> memref<40xi32, #tpu.memory_space<vmem>>
        %dma_wait3A_255 = arith.constant 0 : i32
        %dma_wait3A_256 = arith.constant 0 : i32
        %dma_wait3A_257 = tpu.memref_slice %arg6[%dma_wait3A_255, %dma_wait3A_256] : memref<64x128xf32, #tpu.memory_space<vmem_shared>> -> memref<64x128xf32, #tpu.memory_space<vmem_shared>>
        %dma_wait3A_258 = tpu.memref_slice %arg15[%dma_wait3A_247, %dma_wait3A_248] : memref<3x4x!tpu.dma_semaphore, #tpu.memory_space<semaphore_mem>> -> memref<1x1x!tpu.dma_semaphore, #tpu.memory_space<semaphore_mem>>
        %dma_wait3A_259 = tpu.memref_squeeze %dma_wait3A_258 : memref<1x1x!tpu.dma_semaphore, #tpu.memory_space<semaphore_mem>> -> memref<!tpu.dma_semaphore, #tpu.memory_space<semaphore_mem>>
        tpu.wait_indirect_dma semaphore(%dma_wait3A_259 : memref<!tpu.dma_semaphore, #tpu.memory_space<semaphore_mem>>) src(%dma_wait3A_257 : memref<64x128xf32, #tpu.memory_space<vmem_shared>>) dst(%dma_wait3A_251 : memref<40x128xf32, #tpu.memory_space<vmem>>)
        %mul3A_260 = arith.constant 32 : i32
        %mul3A_261 = arith.muli %add3A_171, %mul3A_260 : i32
        %add3A_262 = arith.addi %add3A, %mul3A_261 : i32
        %mul3A_263 = arith.constant 160 : i32
        %mul3A_264 = arith.muli %add3A_262, %mul3A_263 : i32
        %add3A_265 = arith.constant 80 : i32
        %add3A_266 = arith.addi %mul3A_264, %add3A_265 : i32
        %dma_start3A_267 = arith.constant 1 : i32
        %dma_start3A_268 = arith.constant 80 : i32
        %dma_start3A_269 = arith.constant 0 : i32
        %dma_start3A_270 = tpu.memref_slice %arg8[%dma_start3A_268, %dma_start3A_269] : memref<160x128xf32, #tpu.memory_space<vmem>> -> memref<40x128xf32, #tpu.memory_space<vmem>>
        %dma_start3A_271 = arith.constant 0 : i32
        %dma_start3A_272 = tpu.memref_slice %arg5[%add3A_266, %dma_start3A_271] : memref<100000x128xf32, #tpu.memory_space<hbm>> -> memref<40x128xf32, #tpu.memory_space<hbm>>
        %dma_start3A_273 = tpu.memref_slice %arg16[%dma_start3A_267] : memref<3x!tpu.dma_semaphore, #tpu.memory_space<semaphore_mem>> -> memref<1x!tpu.dma_semaphore, #tpu.memory_space<semaphore_mem>>
        %dma_start3A_274 = tpu.memref_squeeze %dma_start3A_273 : memref<1x!tpu.dma_semaphore, #tpu.memory_space<semaphore_mem>> -> memref<!tpu.dma_semaphore, #tpu.memory_space<semaphore_mem>>
        %dma_start3A_275 = arith.constant 0 : i32
        %dma_start3A_276 = tpu.memref_slice %arg5[%add3A_266, %dma_start3A_275] : memref<100000x128xf32, #tpu.memory_space<hbm>> -> memref<40x128xf32, #tpu.memory_space<hbm>>
        %dma_start3A_277 = arith.constant 80 : i32
        %dma_start3A_278 = arith.constant 0 : i32
        %dma_start3A_279 = tpu.memref_slice %arg8[%dma_start3A_277, %dma_start3A_278] : memref<160x128xf32, #tpu.memory_space<vmem>> -> memref<40x128xf32, #tpu.memory_space<vmem>>
        tpu.enqueue_dma source(%dma_start3A_279 : memref<40x128xf32, #tpu.memory_space<vmem>>) target(%dma_start3A_276 : memref<40x128xf32, #tpu.memory_space<hbm>>) target_semaphore(%dma_start3A_274 : memref<!tpu.dma_semaphore, #tpu.memory_space<semaphore_mem>>)
        %dma_wait3A_280 = arith.constant 3 : i32
        %dma_wait3A_281 = arith.constant 1 : i32
        %dma_wait3A_282 = arith.constant 3 : i32
        %dma_wait3A_283 = arith.constant 120 : i32
        %dma_wait3A_284 = arith.constant 0 : i32
        %dma_wait3A_285 = tpu.memref_slice %arg8[%dma_wait3A_283, %dma_wait3A_284] : memref<160x128xf32, #tpu.memory_space<vmem>> -> memref<40x128xf32, #tpu.memory_space<vmem>>
        %dma_wait3A_286 = arith.constant 0 : i32
        %dma_wait3A_287 = tpu.memref_slice %arg11[%dma_wait3A_280, %dma_wait3A_286] : memref<4x40xi32, #tpu.memory_space<vmem>> -> memref<1x40xi32, #tpu.memory_space<vmem>>
        %dma_wait3A_288 = tpu.memref_squeeze %dma_wait3A_287 : memref<1x40xi32, #tpu.memory_space<vmem>> -> memref<40xi32, #tpu.memory_space<vmem>>
        %dma_wait3A_289 = arith.constant 0 : i32
        %dma_wait3A_290 = arith.constant 0 : i32
        %dma_wait3A_291 = tpu.memref_slice %arg6[%dma_wait3A_289, %dma_wait3A_290] : memref<64x128xf32, #tpu.memory_space<vmem_shared>> -> memref<64x128xf32, #tpu.memory_space<vmem_shared>>
        %dma_wait3A_292 = tpu.memref_slice %arg15[%dma_wait3A_281, %dma_wait3A_282] : memref<3x4x!tpu.dma_semaphore, #tpu.memory_space<semaphore_mem>> -> memref<1x1x!tpu.dma_semaphore, #tpu.memory_space<semaphore_mem>>
        %dma_wait3A_293 = tpu.memref_squeeze %dma_wait3A_292 : memref<1x1x!tpu.dma_semaphore, #tpu.memory_space<semaphore_mem>> -> memref<!tpu.dma_semaphore, #tpu.memory_space<semaphore_mem>>
        tpu.wait_indirect_dma semaphore(%dma_wait3A_293 : memref<!tpu.dma_semaphore, #tpu.memory_space<semaphore_mem>>) src(%dma_wait3A_291 : memref<64x128xf32, #tpu.memory_space<vmem_shared>>) dst(%dma_wait3A_285 : memref<40x128xf32, #tpu.memory_space<vmem>>)
        %mul3A_294 = arith.constant 32 : i32
        %mul3A_295 = arith.muli %add3A_171, %mul3A_294 : i32
        %add3A_296 = arith.addi %add3A, %mul3A_295 : i32
        %mul3A_297 = arith.constant 160 : i32
        %mul3A_298 = arith.muli %add3A_296, %mul3A_297 : i32
        %add3A_299 = arith.constant 120 : i32
        %add3A_300 = arith.addi %mul3A_298, %add3A_299 : i32
        %dma_start3A_301 = arith.constant 1 : i32
        %dma_start3A_302 = arith.constant 120 : i32
        %dma_start3A_303 = arith.constant 0 : i32
        %dma_start3A_304 = tpu.memref_slice %arg8[%dma_start3A_302, %dma_start3A_303] : memref<160x128xf32, #tpu.memory_space<vmem>> -> memref<40x128xf32, #tpu.memory_space<vmem>>
        %dma_start3A_305 = arith.constant 0 : i32
        %dma_start3A_306 = tpu.memref_slice %arg5[%add3A_300, %dma_start3A_305] : memref<100000x128xf32, #tpu.memory_space<hbm>> -> memref<40x128xf32, #tpu.memory_space<hbm>>
        %dma_start3A_307 = tpu.memref_slice %arg16[%dma_start3A_301] : memref<3x!tpu.dma_semaphore, #tpu.memory_space<semaphore_mem>> -> memref<1x!tpu.dma_semaphore, #tpu.memory_space<semaphore_mem>>
        %dma_start3A_308 = tpu.memref_squeeze %dma_start3A_307 : memref<1x!tpu.dma_semaphore, #tpu.memory_space<semaphore_mem>> -> memref<!tpu.dma_semaphore, #tpu.memory_space<semaphore_mem>>
        %dma_start3A_309 = arith.constant 0 : i32
        %dma_start3A_310 = tpu.memref_slice %arg5[%add3A_300, %dma_start3A_309] : memref<100000x128xf32, #tpu.memory_space<hbm>> -> memref<40x128xf32, #tpu.memory_space<hbm>>
        %dma_start3A_311 = arith.constant 120 : i32
        %dma_start3A_312 = arith.constant 0 : i32
        %dma_start3A_313 = tpu.memref_slice %arg8[%dma_start3A_311, %dma_start3A_312] : memref<160x128xf32, #tpu.memory_space<vmem>> -> memref<40x128xf32, #tpu.memory_space<vmem>>
        tpu.enqueue_dma source(%dma_start3A_313 : memref<40x128xf32, #tpu.memory_space<vmem>>) target(%dma_start3A_310 : memref<40x128xf32, #tpu.memory_space<hbm>>) target_semaphore(%dma_start3A_308 : memref<!tpu.dma_semaphore, #tpu.memory_space<semaphore_mem>>)
        %add3A_314 = arith.constant 1 : i32
        %add3A_315 = arith.addi %add3A_171, %add3A_314 : i32
        %lt3A_316 = arith.cmpi slt, %add3A_315, %select_n3A : i32
        %convert_element_type3A_317 = arith.extui %lt3A_316 : i1 to i32
        %cond3A_318 = arith.constant 0 : i32
        %cond3A_319 = arith.cmpi ne, %convert_element_type3A_317, %cond3A_318 : i32
        scf.if %cond3A_319 {
          %add3A_320 = arith.constant 1 : i32
          %add3A_321 = arith.addi %add3A_171, %add3A_320 : i32
          %mul3A_322 = arith.constant 32 : i32
          %mul3A_323 = arith.muli %add3A_321, %mul3A_322 : i32
          %add3A_324 = arith.addi %add3A, %mul3A_323 : i32
          %mul3A_325 = arith.constant 160 : i32
          %mul3A_326 = arith.muli %add3A_324, %mul3A_325 : i32
          %dma_wait3A_327 = arith.constant 2 : i32
          %dma_wait3A_328 = arith.constant 0 : i32
          %dma_wait3A_329 = tpu.memref_slice %arg2[%mul3A_326, %dma_wait3A_328] : memref<100000x128xf32, #tpu.memory_space<hbm>> -> memref<160x128xf32, #tpu.memory_space<hbm>>
          %dma_wait3A_330 = tpu.memref_slice %arg13[%dma_wait3A_327] : memref<3x!tpu.dma_semaphore, #tpu.memory_space<semaphore_mem>> -> memref<1x!tpu.dma_semaphore, #tpu.memory_space<semaphore_mem>>
          %dma_wait3A_331 = tpu.memref_squeeze %dma_wait3A_330 : memref<1x!tpu.dma_semaphore, #tpu.memory_space<semaphore_mem>> -> memref<!tpu.dma_semaphore, #tpu.memory_space<semaphore_mem>>
          %dma_wait3A_332 = arith.constant 0 : i32
          %dma_wait3A_333 = tpu.memref_slice %arg2[%mul3A_326, %dma_wait3A_332] : memref<100000x128xf32, #tpu.memory_space<hbm>> -> memref<160x128xf32, #tpu.memory_space<hbm>>
          tpu.wait_dma2 semaphore(%dma_wait3A_331 : memref<!tpu.dma_semaphore, #tpu.memory_space<semaphore_mem>>) src(%dma_wait3A_333 : memref<160x128xf32, #tpu.memory_space<hbm>>) dst(%arg9 : memref<160x128xf32, #tpu.memory_space<vmem>>)
          %add3A_334 = arith.constant 1 : i32
          %add3A_335 = arith.addi %add3A_171, %add3A_334 : i32
          %mul3A_336 = arith.constant 32 : i32
          %mul3A_337 = arith.muli %add3A_335, %mul3A_336 : i32
          %add3A_338 = arith.addi %add3A, %mul3A_337 : i32
          %dma_wait3A_339 = arith.constant 2 : i32
          %dma_wait3A_340 = arith.constant 0 : i32
          %dma_wait3A_341 = arith.constant 0 : i32
          %dma_wait3A_342 = tpu.memref_slice %arg3[%add3A_338, %dma_wait3A_340, %dma_wait3A_341] : memref<625x4x40xi32, #tpu.memory_space<hbm>> -> memref<1x4x40xi32, #tpu.memory_space<hbm>>
          %dma_wait3A_343 = tpu.memref_squeeze %dma_wait3A_342 : memref<1x4x40xi32, #tpu.memory_space<hbm>> -> memref<4x40xi32, #tpu.memory_space<hbm>>
          %dma_wait3A_344 = tpu.memref_slice %arg14[%dma_wait3A_339] : memref<3x!tpu.dma_semaphore, #tpu.memory_space<semaphore_mem>> -> memref<1x!tpu.dma_semaphore, #tpu.memory_space<semaphore_mem>>
          %dma_wait3A_345 = tpu.memref_squeeze %dma_wait3A_344 : memref<1x!tpu.dma_semaphore, #tpu.memory_space<semaphore_mem>> -> memref<!tpu.dma_semaphore, #tpu.memory_space<semaphore_mem>>
          %dma_wait3A_346 = arith.constant 0 : i32
          %dma_wait3A_347 = arith.constant 0 : i32
          %dma_wait3A_348 = tpu.memref_slice %arg3[%add3A_338, %dma_wait3A_346, %dma_wait3A_347] : memref<625x4x40xi32, #tpu.memory_space<hbm>> -> memref<1x4x40xi32, #tpu.memory_space<hbm>>
          %dma_wait3A_349 = tpu.memref_squeeze %dma_wait3A_348 : memref<1x4x40xi32, #tpu.memory_space<hbm>> -> memref<4x40xi32, #tpu.memory_space<hbm>>
          tpu.wait_dma2 semaphore(%dma_wait3A_345 : memref<!tpu.dma_semaphore, #tpu.memory_space<semaphore_mem>>) src(%dma_wait3A_349 : memref<4x40xi32, #tpu.memory_space<hbm>>) dst(%arg12 : memref<4x40xi32, #tpu.memory_space<vmem>>)
          %dma_start3A_350 = arith.constant 0 : i32
          %dma_start3A_351 = arith.constant 2 : i32
          %dma_start3A_352 = arith.constant 0 : i32
          %dma_start3A_353 = arith.constant 0 : i32
          %dma_start3A_354 = arith.constant 0 : i32
          %dma_start3A_355 = tpu.memref_slice %arg9[%dma_start3A_353, %dma_start3A_354] : memref<160x128xf32, #tpu.memory_space<vmem>> -> memref<40x128xf32, #tpu.memory_space<vmem>>
          %dma_start3A_356 = arith.constant 0 : i32
          %dma_start3A_357 = tpu.memref_slice %arg12[%dma_start3A_350, %dma_start3A_356] : memref<4x40xi32, #tpu.memory_space<vmem>> -> memref<1x40xi32, #tpu.memory_space<vmem>>
          %dma_start3A_358 = tpu.memref_squeeze %dma_start3A_357 : memref<1x40xi32, #tpu.memory_space<vmem>> -> memref<40xi32, #tpu.memory_space<vmem>>
          %dma_start3A_359 = arith.constant 0 : i32
          %dma_start3A_360 = arith.constant 0 : i32
          %dma_start3A_361 = tpu.memref_slice %arg6[%dma_start3A_359, %dma_start3A_360] : memref<64x128xf32, #tpu.memory_space<vmem_shared>> -> memref<64x128xf32, #tpu.memory_space<vmem_shared>>
          %dma_start3A_362 = tpu.memref_slice %arg15[%dma_start3A_351, %dma_start3A_352] : memref<3x4x!tpu.dma_semaphore, #tpu.memory_space<semaphore_mem>> -> memref<1x1x!tpu.dma_semaphore, #tpu.memory_space<semaphore_mem>>
          %dma_start3A_363 = tpu.memref_squeeze %dma_start3A_362 : memref<1x1x!tpu.dma_semaphore, #tpu.memory_space<semaphore_mem>> -> memref<!tpu.dma_semaphore, #tpu.memory_space<semaphore_mem>>
          tpu.enqueue_indirect_dma source(%dma_start3A_361 : memref<64x128xf32, #tpu.memory_space<vmem_shared>>) target(%dma_start3A_355 : memref<40x128xf32, #tpu.memory_space<vmem>>) offsets(%dma_start3A_358 : memref<40xi32, #tpu.memory_space<vmem>>) semaphore(%dma_start3A_363 : memref<!tpu.dma_semaphore, #tpu.memory_space<semaphore_mem>>) {add = true}
          %dma_start3A_364 = arith.constant 1 : i32
          %dma_start3A_365 = arith.constant 2 : i32
          %dma_start3A_366 = arith.constant 1 : i32
          %dma_start3A_367 = arith.constant 40 : i32
          %dma_start3A_368 = arith.constant 0 : i32
          %dma_start3A_369 = tpu.memref_slice %arg9[%dma_start3A_367, %dma_start3A_368] : memref<160x128xf32, #tpu.memory_space<vmem>> -> memref<40x128xf32, #tpu.memory_space<vmem>>
          %dma_start3A_370 = arith.constant 0 : i32
          %dma_start3A_371 = tpu.memref_slice %arg12[%dma_start3A_364, %dma_start3A_370] : memref<4x40xi32, #tpu.memory_space<vmem>> -> memref<1x40xi32, #tpu.memory_space<vmem>>
          %dma_start3A_372 = tpu.memref_squeeze %dma_start3A_371 : memref<1x40xi32, #tpu.memory_space<vmem>> -> memref<40xi32, #tpu.memory_space<vmem>>
          %dma_start3A_373 = arith.constant 0 : i32
          %dma_start3A_374 = arith.constant 0 : i32
          %dma_start3A_375 = tpu.memref_slice %arg6[%dma_start3A_373, %dma_start3A_374] : memref<64x128xf32, #tpu.memory_space<vmem_shared>> -> memref<64x128xf32, #tpu.memory_space<vmem_shared>>
          %dma_start3A_376 = tpu.memref_slice %arg15[%dma_start3A_365, %dma_start3A_366] : memref<3x4x!tpu.dma_semaphore, #tpu.memory_space<semaphore_mem>> -> memref<1x1x!tpu.dma_semaphore, #tpu.memory_space<semaphore_mem>>
          %dma_start3A_377 = tpu.memref_squeeze %dma_start3A_376 : memref<1x1x!tpu.dma_semaphore, #tpu.memory_space<semaphore_mem>> -> memref<!tpu.dma_semaphore, #tpu.memory_space<semaphore_mem>>
          tpu.enqueue_indirect_dma source(%dma_start3A_375 : memref<64x128xf32, #tpu.memory_space<vmem_shared>>) target(%dma_start3A_369 : memref<40x128xf32, #tpu.memory_space<vmem>>) offsets(%dma_start3A_372 : memref<40xi32, #tpu.memory_space<vmem>>) semaphore(%dma_start3A_377 : memref<!tpu.dma_semaphore, #tpu.memory_space<semaphore_mem>>) {add = true}
          %dma_start3A_378 = arith.constant 2 : i32
          %dma_start3A_379 = arith.constant 2 : i32
          %dma_start3A_380 = arith.constant 2 : i32
          %dma_start3A_381 = arith.constant 80 : i32
          %dma_start3A_382 = arith.constant 0 : i32
          %dma_start3A_383 = tpu.memref_slice %arg9[%dma_start3A_381, %dma_start3A_382] : memref<160x128xf32, #tpu.memory_space<vmem>> -> memref<40x128xf32, #tpu.memory_space<vmem>>
          %dma_start3A_384 = arith.constant 0 : i32
          %dma_start3A_385 = tpu.memref_slice %arg12[%dma_start3A_378, %dma_start3A_384] : memref<4x40xi32, #tpu.memory_space<vmem>> -> memref<1x40xi32, #tpu.memory_space<vmem>>
          %dma_start3A_386 = tpu.memref_squeeze %dma_start3A_385 : memref<1x40xi32, #tpu.memory_space<vmem>> -> memref<40xi32, #tpu.memory_space<vmem>>
          %dma_start3A_387 = arith.constant 0 : i32
          %dma_start3A_388 = arith.constant 0 : i32
          %dma_start3A_389 = tpu.memref_slice %arg6[%dma_start3A_387, %dma_start3A_388] : memref<64x128xf32, #tpu.memory_space<vmem_shared>> -> memref<64x128xf32, #tpu.memory_space<vmem_shared>>
          %dma_start3A_390 = tpu.memref_slice %arg15[%dma_start3A_379, %dma_start3A_380] : memref<3x4x!tpu.dma_semaphore, #tpu.memory_space<semaphore_mem>> -> memref<1x1x!tpu.dma_semaphore, #tpu.memory_space<semaphore_mem>>
          %dma_start3A_391 = tpu.memref_squeeze %dma_start3A_390 : memref<1x1x!tpu.dma_semaphore, #tpu.memory_space<semaphore_mem>> -> memref<!tpu.dma_semaphore, #tpu.memory_space<semaphore_mem>>
          tpu.enqueue_indirect_dma source(%dma_start3A_389 : memref<64x128xf32, #tpu.memory_space<vmem_shared>>) target(%dma_start3A_383 : memref<40x128xf32, #tpu.memory_space<vmem>>) offsets(%dma_start3A_386 : memref<40xi32, #tpu.memory_space<vmem>>) semaphore(%dma_start3A_391 : memref<!tpu.dma_semaphore, #tpu.memory_space<semaphore_mem>>) {add = true}
          %dma_start3A_392 = arith.constant 3 : i32
          %dma_start3A_393 = arith.constant 2 : i32
          %dma_start3A_394 = arith.constant 3 : i32
          %dma_start3A_395 = arith.constant 120 : i32
          %dma_start3A_396 = arith.constant 0 : i32
          %dma_start3A_397 = tpu.memref_slice %arg9[%dma_start3A_395, %dma_start3A_396] : memref<160x128xf32, #tpu.memory_space<vmem>> -> memref<40x128xf32, #tpu.memory_space<vmem>>
          %dma_start3A_398 = arith.constant 0 : i32
          %dma_start3A_399 = tpu.memref_slice %arg12[%dma_start3A_392, %dma_start3A_398] : memref<4x40xi32, #tpu.memory_space<vmem>> -> memref<1x40xi32, #tpu.memory_space<vmem>>
          %dma_start3A_400 = tpu.memref_squeeze %dma_start3A_399 : memref<1x40xi32, #tpu.memory_space<vmem>> -> memref<40xi32, #tpu.memory_space<vmem>>
          %dma_start3A_401 = arith.constant 0 : i32
          %dma_start3A_402 = arith.constant 0 : i32
          %dma_start3A_403 = tpu.memref_slice %arg6[%dma_start3A_401, %dma_start3A_402] : memref<64x128xf32, #tpu.memory_space<vmem_shared>> -> memref<64x128xf32, #tpu.memory_space<vmem_shared>>
          %dma_start3A_404 = tpu.memref_slice %arg15[%dma_start3A_393, %dma_start3A_394] : memref<3x4x!tpu.dma_semaphore, #tpu.memory_space<semaphore_mem>> -> memref<1x1x!tpu.dma_semaphore, #tpu.memory_space<semaphore_mem>>
          %dma_start3A_405 = tpu.memref_squeeze %dma_start3A_404 : memref<1x1x!tpu.dma_semaphore, #tpu.memory_space<semaphore_mem>> -> memref<!tpu.dma_semaphore, #tpu.memory_space<semaphore_mem>>
          tpu.enqueue_indirect_dma source(%dma_start3A_403 : memref<64x128xf32, #tpu.memory_space<vmem_shared>>) target(%dma_start3A_397 : memref<40x128xf32, #tpu.memory_space<vmem>>) offsets(%dma_start3A_400 : memref<40xi32, #tpu.memory_space<vmem>>) semaphore(%dma_start3A_405 : memref<!tpu.dma_semaphore, #tpu.memory_space<semaphore_mem>>) {add = true}
        } else {
        }
      } else {
      }
      %add3A_164 = arith.constant 2 : i32
      %add3A_165 = arith.addi %mul3A_152, %add3A_164 : i32
      %lt3A_166 = arith.cmpi slt, %add3A_165, %select_n3A : i32
      %convert_element_type3A_167 = arith.extui %lt3A_166 : i1 to i32
      %cond3A_168 = arith.constant 0 : i32
      %cond3A_169 = arith.cmpi ne, %convert_element_type3A_167, %cond3A_168 : i32
      scf.if %cond3A_169 {
        %add3A_170 = arith.constant 2 : i32
        %add3A_171 = arith.addi %mul3A_152, %add3A_170 : i32
        %add3A_172 = arith.constant 2 : i32
        %add3A_173 = arith.addi %add3A_171, %add3A_172 : i32
        %lt3A_174 = arith.cmpi slt, %add3A_173, %select_n3A : i32
        %convert_element_type3A_175 = arith.extui %lt3A_174 : i1 to i32
        %cond3A_176 = arith.constant 0 : i32
        %cond3A_177 = arith.cmpi ne, %convert_element_type3A_175, %cond3A_176 : i32
        scf.if %cond3A_177 {
          %ge3A_320 = arith.constant 1 : i32
          %ge3A_321 = arith.cmpi sge, %add3A_171, %ge3A_320 : i32
          %convert_element_type3A_322 = arith.extui %ge3A_321 : i1 to i32
          %cond3A_323 = arith.constant 0 : i32
          %cond3A_324 = arith.cmpi ne, %convert_element_type3A_322, %cond3A_323 : i32
          scf.if %cond3A_324 {
            %sub3A_355 = arith.constant 1 : i32
            %sub3A_356 = arith.subi %add3A_171, %sub3A_355 : i32
            %mul3A_357 = arith.constant 32 : i32
            %mul3A_358 = arith.muli %sub3A_356, %mul3A_357 : i32
            %add3A_359 = arith.addi %add3A, %mul3A_358 : i32
            %mul3A_360 = arith.constant 160 : i32
            %mul3A_361 = arith.muli %add3A_359, %mul3A_360 : i32
            %dma_wait3A_362 = arith.constant 1 : i32
            %dma_wait3A_363 = arith.constant 0 : i32
            %dma_wait3A_364 = tpu.memref_slice %arg5[%mul3A_361, %dma_wait3A_363] : memref<100000x128xf32, #tpu.memory_space<hbm>> -> memref<160x128xf32, #tpu.memory_space<hbm>>
            %dma_wait3A_365 = tpu.memref_slice %arg16[%dma_wait3A_362] : memref<3x!tpu.dma_semaphore, #tpu.memory_space<semaphore_mem>> -> memref<1x!tpu.dma_semaphore, #tpu.memory_space<semaphore_mem>>
            %dma_wait3A_366 = tpu.memref_squeeze %dma_wait3A_365 : memref<1x!tpu.dma_semaphore, #tpu.memory_space<semaphore_mem>> -> memref<!tpu.dma_semaphore, #tpu.memory_space<semaphore_mem>>
            %dma_wait3A_367 = arith.constant 0 : i32
            %dma_wait3A_368 = tpu.memref_slice %arg5[%mul3A_361, %dma_wait3A_367] : memref<100000x128xf32, #tpu.memory_space<hbm>> -> memref<160x128xf32, #tpu.memory_space<hbm>>
            tpu.wait_dma2 semaphore(%dma_wait3A_366 : memref<!tpu.dma_semaphore, #tpu.memory_space<semaphore_mem>>) src(%arg8 : memref<160x128xf32, #tpu.memory_space<vmem>>) dst(%dma_wait3A_368 : memref<160x128xf32, #tpu.memory_space<hbm>>)
          } else {
          }
          %add3A_325 = arith.constant 2 : i32
          %add3A_326 = arith.addi %add3A_171, %add3A_325 : i32
          %mul3A_327 = arith.constant 32 : i32
          %mul3A_328 = arith.muli %add3A_326, %mul3A_327 : i32
          %add3A_329 = arith.addi %add3A, %mul3A_328 : i32
          %mul3A_330 = arith.constant 160 : i32
          %mul3A_331 = arith.muli %add3A_329, %mul3A_330 : i32
          %dma_start3A_332 = arith.constant 1 : i32
          %dma_start3A_333 = arith.constant 0 : i32
          %dma_start3A_334 = tpu.memref_slice %arg2[%mul3A_331, %dma_start3A_333] : memref<100000x128xf32, #tpu.memory_space<hbm>> -> memref<160x128xf32, #tpu.memory_space<hbm>>
          %dma_start3A_335 = tpu.memref_slice %arg13[%dma_start3A_332] : memref<3x!tpu.dma_semaphore, #tpu.memory_space<semaphore_mem>> -> memref<1x!tpu.dma_semaphore, #tpu.memory_space<semaphore_mem>>
          %dma_start3A_336 = tpu.memref_squeeze %dma_start3A_335 : memref<1x!tpu.dma_semaphore, #tpu.memory_space<semaphore_mem>> -> memref<!tpu.dma_semaphore, #tpu.memory_space<semaphore_mem>>
          %dma_start3A_337 = arith.constant 0 : i32
          %dma_start3A_338 = tpu.memref_slice %arg2[%mul3A_331, %dma_start3A_337] : memref<100000x128xf32, #tpu.memory_space<hbm>> -> memref<160x128xf32, #tpu.memory_space<hbm>>
          tpu.enqueue_dma source(%dma_start3A_338 : memref<160x128xf32, #tpu.memory_space<hbm>>) target(%arg8 : memref<160x128xf32, #tpu.memory_space<vmem>>) target_semaphore(%dma_start3A_336 : memref<!tpu.dma_semaphore, #tpu.memory_space<semaphore_mem>>)
          %add3A_339 = arith.constant 2 : i32
          %add3A_340 = arith.addi %add3A_171, %add3A_339 : i32
          %mul3A_341 = arith.constant 32 : i32
          %mul3A_342 = arith.muli %add3A_340, %mul3A_341 : i32
          %add3A_343 = arith.addi %add3A, %mul3A_342 : i32
          %dma_start3A_344 = arith.constant 1 : i32
          %dma_start3A_345 = arith.constant 0 : i32
          %dma_start3A_346 = arith.constant 0 : i32
          %dma_start3A_347 = tpu.memref_slice %arg3[%add3A_343, %dma_start3A_345, %dma_start3A_346] : memref<625x4x40xi32, #tpu.memory_space<hbm>> -> memref<1x4x40xi32, #tpu.memory_space<hbm>>
          %dma_start3A_348 = tpu.memref_squeeze %dma_start3A_347 : memref<1x4x40xi32, #tpu.memory_space<hbm>> -> memref<4x40xi32, #tpu.memory_space<hbm>>
          %dma_start3A_349 = tpu.memref_slice %arg14[%dma_start3A_344] : memref<3x!tpu.dma_semaphore, #tpu.memory_space<semaphore_mem>> -> memref<1x!tpu.dma_semaphore, #tpu.memory_space<semaphore_mem>>
          %dma_start3A_350 = tpu.memref_squeeze %dma_start3A_349 : memref<1x!tpu.dma_semaphore, #tpu.memory_space<semaphore_mem>> -> memref<!tpu.dma_semaphore, #tpu.memory_space<semaphore_mem>>
          %dma_start3A_351 = arith.constant 0 : i32
          %dma_start3A_352 = arith.constant 0 : i32
          %dma_start3A_353 = tpu.memref_slice %arg3[%add3A_343, %dma_start3A_351, %dma_start3A_352] : memref<625x4x40xi32, #tpu.memory_space<hbm>> -> memref<1x4x40xi32, #tpu.memory_space<hbm>>
          %dma_start3A_354 = tpu.memref_squeeze %dma_start3A_353 : memref<1x4x40xi32, #tpu.memory_space<hbm>> -> memref<4x40xi32, #tpu.memory_space<hbm>>
          tpu.enqueue_dma source(%dma_start3A_354 : memref<4x40xi32, #tpu.memory_space<hbm>>) target(%arg11 : memref<4x40xi32, #tpu.memory_space<vmem>>) target_semaphore(%dma_start3A_350 : memref<!tpu.dma_semaphore, #tpu.memory_space<semaphore_mem>>)
        } else {
        }
        %dma_wait3A_178 = arith.constant 0 : i32
        %dma_wait3A_179 = arith.constant 2 : i32
        %dma_wait3A_180 = arith.constant 0 : i32
        %dma_wait3A_181 = arith.constant 0 : i32
        %dma_wait3A_182 = arith.constant 0 : i32
        %dma_wait3A_183 = tpu.memref_slice %arg9[%dma_wait3A_181, %dma_wait3A_182] : memref<160x128xf32, #tpu.memory_space<vmem>> -> memref<40x128xf32, #tpu.memory_space<vmem>>
        %dma_wait3A_184 = arith.constant 0 : i32
        %dma_wait3A_185 = tpu.memref_slice %arg12[%dma_wait3A_178, %dma_wait3A_184] : memref<4x40xi32, #tpu.memory_space<vmem>> -> memref<1x40xi32, #tpu.memory_space<vmem>>
        %dma_wait3A_186 = tpu.memref_squeeze %dma_wait3A_185 : memref<1x40xi32, #tpu.memory_space<vmem>> -> memref<40xi32, #tpu.memory_space<vmem>>
        %dma_wait3A_187 = arith.constant 0 : i32
        %dma_wait3A_188 = arith.constant 0 : i32
        %dma_wait3A_189 = tpu.memref_slice %arg6[%dma_wait3A_187, %dma_wait3A_188] : memref<64x128xf32, #tpu.memory_space<vmem_shared>> -> memref<64x128xf32, #tpu.memory_space<vmem_shared>>
        %dma_wait3A_190 = tpu.memref_slice %arg15[%dma_wait3A_179, %dma_wait3A_180] : memref<3x4x!tpu.dma_semaphore, #tpu.memory_space<semaphore_mem>> -> memref<1x1x!tpu.dma_semaphore, #tpu.memory_space<semaphore_mem>>
        %dma_wait3A_191 = tpu.memref_squeeze %dma_wait3A_190 : memref<1x1x!tpu.dma_semaphore, #tpu.memory_space<semaphore_mem>> -> memref<!tpu.dma_semaphore, #tpu.memory_space<semaphore_mem>>
        tpu.wait_indirect_dma semaphore(%dma_wait3A_191 : memref<!tpu.dma_semaphore, #tpu.memory_space<semaphore_mem>>) src(%dma_wait3A_189 : memref<64x128xf32, #tpu.memory_space<vmem_shared>>) dst(%dma_wait3A_183 : memref<40x128xf32, #tpu.memory_space<vmem>>)
        %mul3A_192 = arith.constant 32 : i32
        %mul3A_193 = arith.muli %add3A_171, %mul3A_192 : i32
        %add3A_194 = arith.addi %add3A, %mul3A_193 : i32
        %mul3A_195 = arith.constant 160 : i32
        %mul3A_196 = arith.muli %add3A_194, %mul3A_195 : i32
        %add3A_197 = arith.constant 0 : i32
        %add3A_198 = arith.addi %mul3A_196, %add3A_197 : i32
        %dma_start3A_199 = arith.constant 2 : i32
        %dma_start3A_200 = arith.constant 0 : i32
        %dma_start3A_201 = arith.constant 0 : i32
        %dma_start3A_202 = tpu.memref_slice %arg9[%dma_start3A_200, %dma_start3A_201] : memref<160x128xf32, #tpu.memory_space<vmem>> -> memref<40x128xf32, #tpu.memory_space<vmem>>
        %dma_start3A_203 = arith.constant 0 : i32
        %dma_start3A_204 = tpu.memref_slice %arg5[%add3A_198, %dma_start3A_203] : memref<100000x128xf32, #tpu.memory_space<hbm>> -> memref<40x128xf32, #tpu.memory_space<hbm>>
        %dma_start3A_205 = tpu.memref_slice %arg16[%dma_start3A_199] : memref<3x!tpu.dma_semaphore, #tpu.memory_space<semaphore_mem>> -> memref<1x!tpu.dma_semaphore, #tpu.memory_space<semaphore_mem>>
        %dma_start3A_206 = tpu.memref_squeeze %dma_start3A_205 : memref<1x!tpu.dma_semaphore, #tpu.memory_space<semaphore_mem>> -> memref<!tpu.dma_semaphore, #tpu.memory_space<semaphore_mem>>
        %dma_start3A_207 = arith.constant 0 : i32
        %dma_start3A_208 = tpu.memref_slice %arg5[%add3A_198, %dma_start3A_207] : memref<100000x128xf32, #tpu.memory_space<hbm>> -> memref<40x128xf32, #tpu.memory_space<hbm>>
        %dma_start3A_209 = arith.constant 0 : i32
        %dma_start3A_210 = arith.constant 0 : i32
        %dma_start3A_211 = tpu.memref_slice %arg9[%dma_start3A_209, %dma_start3A_210] : memref<160x128xf32, #tpu.memory_space<vmem>> -> memref<40x128xf32, #tpu.memory_space<vmem>>
        tpu.enqueue_dma source(%dma_start3A_211 : memref<40x128xf32, #tpu.memory_space<vmem>>) target(%dma_start3A_208 : memref<40x128xf32, #tpu.memory_space<hbm>>) target_semaphore(%dma_start3A_206 : memref<!tpu.dma_semaphore, #tpu.memory_space<semaphore_mem>>)
        %dma_wait3A_212 = arith.constant 1 : i32
        %dma_wait3A_213 = arith.constant 2 : i32
        %dma_wait3A_214 = arith.constant 1 : i32
        %dma_wait3A_215 = arith.constant 40 : i32
        %dma_wait3A_216 = arith.constant 0 : i32
        %dma_wait3A_217 = tpu.memref_slice %arg9[%dma_wait3A_215, %dma_wait3A_216] : memref<160x128xf32, #tpu.memory_space<vmem>> -> memref<40x128xf32, #tpu.memory_space<vmem>>
        %dma_wait3A_218 = arith.constant 0 : i32
        %dma_wait3A_219 = tpu.memref_slice %arg12[%dma_wait3A_212, %dma_wait3A_218] : memref<4x40xi32, #tpu.memory_space<vmem>> -> memref<1x40xi32, #tpu.memory_space<vmem>>
        %dma_wait3A_220 = tpu.memref_squeeze %dma_wait3A_219 : memref<1x40xi32, #tpu.memory_space<vmem>> -> memref<40xi32, #tpu.memory_space<vmem>>
        %dma_wait3A_221 = arith.constant 0 : i32
        %dma_wait3A_222 = arith.constant 0 : i32
        %dma_wait3A_223 = tpu.memref_slice %arg6[%dma_wait3A_221, %dma_wait3A_222] : memref<64x128xf32, #tpu.memory_space<vmem_shared>> -> memref<64x128xf32, #tpu.memory_space<vmem_shared>>
        %dma_wait3A_224 = tpu.memref_slice %arg15[%dma_wait3A_213, %dma_wait3A_214] : memref<3x4x!tpu.dma_semaphore, #tpu.memory_space<semaphore_mem>> -> memref<1x1x!tpu.dma_semaphore, #tpu.memory_space<semaphore_mem>>
        %dma_wait3A_225 = tpu.memref_squeeze %dma_wait3A_224 : memref<1x1x!tpu.dma_semaphore, #tpu.memory_space<semaphore_mem>> -> memref<!tpu.dma_semaphore, #tpu.memory_space<semaphore_mem>>
        tpu.wait_indirect_dma semaphore(%dma_wait3A_225 : memref<!tpu.dma_semaphore, #tpu.memory_space<semaphore_mem>>) src(%dma_wait3A_223 : memref<64x128xf32, #tpu.memory_space<vmem_shared>>) dst(%dma_wait3A_217 : memref<40x128xf32, #tpu.memory_space<vmem>>)
        %mul3A_226 = arith.constant 32 : i32
        %mul3A_227 = arith.muli %add3A_171, %mul3A_226 : i32
        %add3A_228 = arith.addi %add3A, %mul3A_227 : i32
        %mul3A_229 = arith.constant 160 : i32
        %mul3A_230 = arith.muli %add3A_228, %mul3A_229 : i32
        %add3A_231 = arith.constant 40 : i32
        %add3A_232 = arith.addi %mul3A_230, %add3A_231 : i32
        %dma_start3A_233 = arith.constant 2 : i32
        %dma_start3A_234 = arith.constant 40 : i32
        %dma_start3A_235 = arith.constant 0 : i32
        %dma_start3A_236 = tpu.memref_slice %arg9[%dma_start3A_234, %dma_start3A_235] : memref<160x128xf32, #tpu.memory_space<vmem>> -> memref<40x128xf32, #tpu.memory_space<vmem>>
        %dma_start3A_237 = arith.constant 0 : i32
        %dma_start3A_238 = tpu.memref_slice %arg5[%add3A_232, %dma_start3A_237] : memref<100000x128xf32, #tpu.memory_space<hbm>> -> memref<40x128xf32, #tpu.memory_space<hbm>>
        %dma_start3A_239 = tpu.memref_slice %arg16[%dma_start3A_233] : memref<3x!tpu.dma_semaphore, #tpu.memory_space<semaphore_mem>> -> memref<1x!tpu.dma_semaphore, #tpu.memory_space<semaphore_mem>>
        %dma_start3A_240 = tpu.memref_squeeze %dma_start3A_239 : memref<1x!tpu.dma_semaphore, #tpu.memory_space<semaphore_mem>> -> memref<!tpu.dma_semaphore, #tpu.memory_space<semaphore_mem>>
        %dma_start3A_241 = arith.constant 0 : i32
        %dma_start3A_242 = tpu.memref_slice %arg5[%add3A_232, %dma_start3A_241] : memref<100000x128xf32, #tpu.memory_space<hbm>> -> memref<40x128xf32, #tpu.memory_space<hbm>>
        %dma_start3A_243 = arith.constant 40 : i32
        %dma_start3A_244 = arith.constant 0 : i32
        %dma_start3A_245 = tpu.memref_slice %arg9[%dma_start3A_243, %dma_start3A_244] : memref<160x128xf32, #tpu.memory_space<vmem>> -> memref<40x128xf32, #tpu.memory_space<vmem>>
        tpu.enqueue_dma source(%dma_start3A_245 : memref<40x128xf32, #tpu.memory_space<vmem>>) target(%dma_start3A_242 : memref<40x128xf32, #tpu.memory_space<hbm>>) target_semaphore(%dma_start3A_240 : memref<!tpu.dma_semaphore, #tpu.memory_space<semaphore_mem>>)
        %dma_wait3A_246 = arith.constant 2 : i32
        %dma_wait3A_247 = arith.constant 2 : i32
        %dma_wait3A_248 = arith.constant 2 : i32
        %dma_wait3A_249 = arith.constant 80 : i32
        %dma_wait3A_250 = arith.constant 0 : i32
        %dma_wait3A_251 = tpu.memref_slice %arg9[%dma_wait3A_249, %dma_wait3A_250] : memref<160x128xf32, #tpu.memory_space<vmem>> -> memref<40x128xf32, #tpu.memory_space<vmem>>
        %dma_wait3A_252 = arith.constant 0 : i32
        %dma_wait3A_253 = tpu.memref_slice %arg12[%dma_wait3A_246, %dma_wait3A_252] : memref<4x40xi32, #tpu.memory_space<vmem>> -> memref<1x40xi32, #tpu.memory_space<vmem>>
        %dma_wait3A_254 = tpu.memref_squeeze %dma_wait3A_253 : memref<1x40xi32, #tpu.memory_space<vmem>> -> memref<40xi32, #tpu.memory_space<vmem>>
        %dma_wait3A_255 = arith.constant 0 : i32
        %dma_wait3A_256 = arith.constant 0 : i32
        %dma_wait3A_257 = tpu.memref_slice %arg6[%dma_wait3A_255, %dma_wait3A_256] : memref<64x128xf32, #tpu.memory_space<vmem_shared>> -> memref<64x128xf32, #tpu.memory_space<vmem_shared>>
        %dma_wait3A_258 = tpu.memref_slice %arg15[%dma_wait3A_247, %dma_wait3A_248] : memref<3x4x!tpu.dma_semaphore, #tpu.memory_space<semaphore_mem>> -> memref<1x1x!tpu.dma_semaphore, #tpu.memory_space<semaphore_mem>>
        %dma_wait3A_259 = tpu.memref_squeeze %dma_wait3A_258 : memref<1x1x!tpu.dma_semaphore, #tpu.memory_space<semaphore_mem>> -> memref<!tpu.dma_semaphore, #tpu.memory_space<semaphore_mem>>
        tpu.wait_indirect_dma semaphore(%dma_wait3A_259 : memref<!tpu.dma_semaphore, #tpu.memory_space<semaphore_mem>>) src(%dma_wait3A_257 : memref<64x128xf32, #tpu.memory_space<vmem_shared>>) dst(%dma_wait3A_251 : memref<40x128xf32, #tpu.memory_space<vmem>>)
        %mul3A_260 = arith.constant 32 : i32
        %mul3A_261 = arith.muli %add3A_171, %mul3A_260 : i32
        %add3A_262 = arith.addi %add3A, %mul3A_261 : i32
        %mul3A_263 = arith.constant 160 : i32
        %mul3A_264 = arith.muli %add3A_262, %mul3A_263 : i32
        %add3A_265 = arith.constant 80 : i32
        %add3A_266 = arith.addi %mul3A_264, %add3A_265 : i32
        %dma_start3A_267 = arith.constant 2 : i32
        %dma_start3A_268 = arith.constant 80 : i32
        %dma_start3A_269 = arith.constant 0 : i32
        %dma_start3A_270 = tpu.memref_slice %arg9[%dma_start3A_268, %dma_start3A_269] : memref<160x128xf32, #tpu.memory_space<vmem>> -> memref<40x128xf32, #tpu.memory_space<vmem>>
        %dma_start3A_271 = arith.constant 0 : i32
        %dma_start3A_272 = tpu.memref_slice %arg5[%add3A_266, %dma_start3A_271] : memref<100000x128xf32, #tpu.memory_space<hbm>> -> memref<40x128xf32, #tpu.memory_space<hbm>>
        %dma_start3A_273 = tpu.memref_slice %arg16[%dma_start3A_267] : memref<3x!tpu.dma_semaphore, #tpu.memory_space<semaphore_mem>> -> memref<1x!tpu.dma_semaphore, #tpu.memory_space<semaphore_mem>>
        %dma_start3A_274 = tpu.memref_squeeze %dma_start3A_273 : memref<1x!tpu.dma_semaphore, #tpu.memory_space<semaphore_mem>> -> memref<!tpu.dma_semaphore, #tpu.memory_space<semaphore_mem>>
        %dma_start3A_275 = arith.constant 0 : i32
        %dma_start3A_276 = tpu.memref_slice %arg5[%add3A_266, %dma_start3A_275] : memref<100000x128xf32, #tpu.memory_space<hbm>> -> memref<40x128xf32, #tpu.memory_space<hbm>>
        %dma_start3A_277 = arith.constant 80 : i32
        %dma_start3A_278 = arith.constant 0 : i32
        %dma_start3A_279 = tpu.memref_slice %arg9[%dma_start3A_277, %dma_start3A_278] : memref<160x128xf32, #tpu.memory_space<vmem>> -> memref<40x128xf32, #tpu.memory_space<vmem>>
        tpu.enqueue_dma source(%dma_start3A_279 : memref<40x128xf32, #tpu.memory_space<vmem>>) target(%dma_start3A_276 : memref<40x128xf32, #tpu.memory_space<hbm>>) target_semaphore(%dma_start3A_274 : memref<!tpu.dma_semaphore, #tpu.memory_space<semaphore_mem>>)
        %dma_wait3A_280 = arith.constant 3 : i32
        %dma_wait3A_281 = arith.constant 2 : i32
        %dma_wait3A_282 = arith.constant 3 : i32
        %dma_wait3A_283 = arith.constant 120 : i32
        %dma_wait3A_284 = arith.constant 0 : i32
        %dma_wait3A_285 = tpu.memref_slice %arg9[%dma_wait3A_283, %dma_wait3A_284] : memref<160x128xf32, #tpu.memory_space<vmem>> -> memref<40x128xf32, #tpu.memory_space<vmem>>
        %dma_wait3A_286 = arith.constant 0 : i32
        %dma_wait3A_287 = tpu.memref_slice %arg12[%dma_wait3A_280, %dma_wait3A_286] : memref<4x40xi32, #tpu.memory_space<vmem>> -> memref<1x40xi32, #tpu.memory_space<vmem>>
        %dma_wait3A_288 = tpu.memref_squeeze %dma_wait3A_287 : memref<1x40xi32, #tpu.memory_space<vmem>> -> memref<40xi32, #tpu.memory_space<vmem>>
        %dma_wait3A_289 = arith.constant 0 : i32
        %dma_wait3A_290 = arith.constant 0 : i32
        %dma_wait3A_291 = tpu.memref_slice %arg6[%dma_wait3A_289, %dma_wait3A_290] : memref<64x128xf32, #tpu.memory_space<vmem_shared>> -> memref<64x128xf32, #tpu.memory_space<vmem_shared>>
        %dma_wait3A_292 = tpu.memref_slice %arg15[%dma_wait3A_281, %dma_wait3A_282] : memref<3x4x!tpu.dma_semaphore, #tpu.memory_space<semaphore_mem>> -> memref<1x1x!tpu.dma_semaphore, #tpu.memory_space<semaphore_mem>>
        %dma_wait3A_293 = tpu.memref_squeeze %dma_wait3A_292 : memref<1x1x!tpu.dma_semaphore, #tpu.memory_space<semaphore_mem>> -> memref<!tpu.dma_semaphore, #tpu.memory_space<semaphore_mem>>
        tpu.wait_indirect_dma semaphore(%dma_wait3A_293 : memref<!tpu.dma_semaphore, #tpu.memory_space<semaphore_mem>>) src(%dma_wait3A_291 : memref<64x128xf32, #tpu.memory_space<vmem_shared>>) dst(%dma_wait3A_285 : memref<40x128xf32, #tpu.memory_space<vmem>>)
        %mul3A_294 = arith.constant 32 : i32
        %mul3A_295 = arith.muli %add3A_171, %mul3A_294 : i32
        %add3A_296 = arith.addi %add3A, %mul3A_295 : i32
        %mul3A_297 = arith.constant 160 : i32
        %mul3A_298 = arith.muli %add3A_296, %mul3A_297 : i32
        %add3A_299 = arith.constant 120 : i32
        %add3A_300 = arith.addi %mul3A_298, %add3A_299 : i32
        %dma_start3A_301 = arith.constant 2 : i32
        %dma_start3A_302 = arith.constant 120 : i32
        %dma_start3A_303 = arith.constant 0 : i32
        %dma_start3A_304 = tpu.memref_slice %arg9[%dma_start3A_302, %dma_start3A_303] : memref<160x128xf32, #tpu.memory_space<vmem>> -> memref<40x128xf32, #tpu.memory_space<vmem>>
        %dma_start3A_305 = arith.constant 0 : i32
        %dma_start3A_306 = tpu.memref_slice %arg5[%add3A_300, %dma_start3A_305] : memref<100000x128xf32, #tpu.memory_space<hbm>> -> memref<40x128xf32, #tpu.memory_space<hbm>>
        %dma_start3A_307 = tpu.memref_slice %arg16[%dma_start3A_301] : memref<3x!tpu.dma_semaphore, #tpu.memory_space<semaphore_mem>> -> memref<1x!tpu.dma_semaphore, #tpu.memory_space<semaphore_mem>>
        %dma_start3A_308 = tpu.memref_squeeze %dma_start3A_307 : memref<1x!tpu.dma_semaphore, #tpu.memory_space<semaphore_mem>> -> memref<!tpu.dma_semaphore, #tpu.memory_space<semaphore_mem>>
        %dma_start3A_309 = arith.constant 0 : i32
        %dma_start3A_310 = tpu.memref_slice %arg5[%add3A_300, %dma_start3A_309] : memref<100000x128xf32, #tpu.memory_space<hbm>> -> memref<40x128xf32, #tpu.memory_space<hbm>>
        %dma_start3A_311 = arith.constant 120 : i32
        %dma_start3A_312 = arith.constant 0 : i32
        %dma_start3A_313 = tpu.memref_slice %arg9[%dma_start3A_311, %dma_start3A_312] : memref<160x128xf32, #tpu.memory_space<vmem>> -> memref<40x128xf32, #tpu.memory_space<vmem>>
        tpu.enqueue_dma source(%dma_start3A_313 : memref<40x128xf32, #tpu.memory_space<vmem>>) target(%dma_start3A_310 : memref<40x128xf32, #tpu.memory_space<hbm>>) target_semaphore(%dma_start3A_308 : memref<!tpu.dma_semaphore, #tpu.memory_space<semaphore_mem>>)
        %add3A_314 = arith.constant 1 : i32
        %add3A_315 = arith.addi %add3A_171, %add3A_314 : i32
        %lt3A_316 = arith.cmpi slt, %add3A_315, %select_n3A : i32
        %convert_element_type3A_317 = arith.extui %lt3A_316 : i1 to i32
        %cond3A_318 = arith.constant 0 : i32
        %cond3A_319 = arith.cmpi ne, %convert_element_type3A_317, %cond3A_318 : i32
        scf.if %cond3A_319 {
          %add3A_320 = arith.constant 1 : i32
          %add3A_321 = arith.addi %add3A_171, %add3A_320 : i32
          %mul3A_322 = arith.constant 32 : i32
          %mul3A_323 = arith.muli %add3A_321, %mul3A_322 : i32
          %add3A_324 = arith.addi %add3A, %mul3A_323 : i32
          %mul3A_325 = arith.constant 160 : i32
          %mul3A_326 = arith.muli %add3A_324, %mul3A_325 : i32
          %dma_wait3A_327 = arith.constant 0 : i32
          %dma_wait3A_328 = arith.constant 0 : i32
          %dma_wait3A_329 = tpu.memref_slice %arg2[%mul3A_326, %dma_wait3A_328] : memref<100000x128xf32, #tpu.memory_space<hbm>> -> memref<160x128xf32, #tpu.memory_space<hbm>>
          %dma_wait3A_330 = tpu.memref_slice %arg13[%dma_wait3A_327] : memref<3x!tpu.dma_semaphore, #tpu.memory_space<semaphore_mem>> -> memref<1x!tpu.dma_semaphore, #tpu.memory_space<semaphore_mem>>
          %dma_wait3A_331 = tpu.memref_squeeze %dma_wait3A_330 : memref<1x!tpu.dma_semaphore, #tpu.memory_space<semaphore_mem>> -> memref<!tpu.dma_semaphore, #tpu.memory_space<semaphore_mem>>
          %dma_wait3A_332 = arith.constant 0 : i32
          %dma_wait3A_333 = tpu.memref_slice %arg2[%mul3A_326, %dma_wait3A_332] : memref<100000x128xf32, #tpu.memory_space<hbm>> -> memref<160x128xf32, #tpu.memory_space<hbm>>
          tpu.wait_dma2 semaphore(%dma_wait3A_331 : memref<!tpu.dma_semaphore, #tpu.memory_space<semaphore_mem>>) src(%dma_wait3A_333 : memref<160x128xf32, #tpu.memory_space<hbm>>) dst(%arg7 : memref<160x128xf32, #tpu.memory_space<vmem>>)
          %add3A_334 = arith.constant 1 : i32
          %add3A_335 = arith.addi %add3A_171, %add3A_334 : i32
          %mul3A_336 = arith.constant 32 : i32
          %mul3A_337 = arith.muli %add3A_335, %mul3A_336 : i32
          %add3A_338 = arith.addi %add3A, %mul3A_337 : i32
          %dma_wait3A_339 = arith.constant 0 : i32
          %dma_wait3A_340 = arith.constant 0 : i32
          %dma_wait3A_341 = arith.constant 0 : i32
          %dma_wait3A_342 = tpu.memref_slice %arg3[%add3A_338, %dma_wait3A_340, %dma_wait3A_341] : memref<625x4x40xi32, #tpu.memory_space<hbm>> -> memref<1x4x40xi32, #tpu.memory_space<hbm>>
          %dma_wait3A_343 = tpu.memref_squeeze %dma_wait3A_342 : memref<1x4x40xi32, #tpu.memory_space<hbm>> -> memref<4x40xi32, #tpu.memory_space<hbm>>
          %dma_wait3A_344 = tpu.memref_slice %arg14[%dma_wait3A_339] : memref<3x!tpu.dma_semaphore, #tpu.memory_space<semaphore_mem>> -> memref<1x!tpu.dma_semaphore, #tpu.memory_space<semaphore_mem>>
          %dma_wait3A_345 = tpu.memref_squeeze %dma_wait3A_344 : memref<1x!tpu.dma_semaphore, #tpu.memory_space<semaphore_mem>> -> memref<!tpu.dma_semaphore, #tpu.memory_space<semaphore_mem>>
          %dma_wait3A_346 = arith.constant 0 : i32
          %dma_wait3A_347 = arith.constant 0 : i32
          %dma_wait3A_348 = tpu.memref_slice %arg3[%add3A_338, %dma_wait3A_346, %dma_wait3A_347] : memref<625x4x40xi32, #tpu.memory_space<hbm>> -> memref<1x4x40xi32, #tpu.memory_space<hbm>>
          %dma_wait3A_349 = tpu.memref_squeeze %dma_wait3A_348 : memref<1x4x40xi32, #tpu.memory_space<hbm>> -> memref<4x40xi32, #tpu.memory_space<hbm>>
          tpu.wait_dma2 semaphore(%dma_wait3A_345 : memref<!tpu.dma_semaphore, #tpu.memory_space<semaphore_mem>>) src(%dma_wait3A_349 : memref<4x40xi32, #tpu.memory_space<hbm>>) dst(%arg10 : memref<4x40xi32, #tpu.memory_space<vmem>>)
          %dma_start3A_350 = arith.constant 0 : i32
          %dma_start3A_351 = arith.constant 0 : i32
          %dma_start3A_352 = arith.constant 0 : i32
          %dma_start3A_353 = arith.constant 0 : i32
          %dma_start3A_354 = arith.constant 0 : i32
          %dma_start3A_355 = tpu.memref_slice %arg7[%dma_start3A_353, %dma_start3A_354] : memref<160x128xf32, #tpu.memory_space<vmem>> -> memref<40x128xf32, #tpu.memory_space<vmem>>
          %dma_start3A_356 = arith.constant 0 : i32
          %dma_start3A_357 = tpu.memref_slice %arg10[%dma_start3A_350, %dma_start3A_356] : memref<4x40xi32, #tpu.memory_space<vmem>> -> memref<1x40xi32, #tpu.memory_space<vmem>>
          %dma_start3A_358 = tpu.memref_squeeze %dma_start3A_357 : memref<1x40xi32, #tpu.memory_space<vmem>> -> memref<40xi32, #tpu.memory_space<vmem>>
          %dma_start3A_359 = arith.constant 0 : i32
          %dma_start3A_360 = arith.constant 0 : i32
          %dma_start3A_361 = tpu.memref_slice %arg6[%dma_start3A_359, %dma_start3A_360] : memref<64x128xf32, #tpu.memory_space<vmem_shared>> -> memref<64x128xf32, #tpu.memory_space<vmem_shared>>
          %dma_start3A_362 = tpu.memref_slice %arg15[%dma_start3A_351, %dma_start3A_352] : memref<3x4x!tpu.dma_semaphore, #tpu.memory_space<semaphore_mem>> -> memref<1x1x!tpu.dma_semaphore, #tpu.memory_space<semaphore_mem>>
          %dma_start3A_363 = tpu.memref_squeeze %dma_start3A_362 : memref<1x1x!tpu.dma_semaphore, #tpu.memory_space<semaphore_mem>> -> memref<!tpu.dma_semaphore, #tpu.memory_space<semaphore_mem>>
          tpu.enqueue_indirect_dma source(%dma_start3A_361 : memref<64x128xf32, #tpu.memory_space<vmem_shared>>) target(%dma_start3A_355 : memref<40x128xf32, #tpu.memory_space<vmem>>) offsets(%dma_start3A_358 : memref<40xi32, #tpu.memory_space<vmem>>) semaphore(%dma_start3A_363 : memref<!tpu.dma_semaphore, #tpu.memory_space<semaphore_mem>>) {add = true}
          %dma_start3A_364 = arith.constant 1 : i32
          %dma_start3A_365 = arith.constant 0 : i32
          %dma_start3A_366 = arith.constant 1 : i32
          %dma_start3A_367 = arith.constant 40 : i32
          %dma_start3A_368 = arith.constant 0 : i32
          %dma_start3A_369 = tpu.memref_slice %arg7[%dma_start3A_367, %dma_start3A_368] : memref<160x128xf32, #tpu.memory_space<vmem>> -> memref<40x128xf32, #tpu.memory_space<vmem>>
          %dma_start3A_370 = arith.constant 0 : i32
          %dma_start3A_371 = tpu.memref_slice %arg10[%dma_start3A_364, %dma_start3A_370] : memref<4x40xi32, #tpu.memory_space<vmem>> -> memref<1x40xi32, #tpu.memory_space<vmem>>
          %dma_start3A_372 = tpu.memref_squeeze %dma_start3A_371 : memref<1x40xi32, #tpu.memory_space<vmem>> -> memref<40xi32, #tpu.memory_space<vmem>>
          %dma_start3A_373 = arith.constant 0 : i32
          %dma_start3A_374 = arith.constant 0 : i32
          %dma_start3A_375 = tpu.memref_slice %arg6[%dma_start3A_373, %dma_start3A_374] : memref<64x128xf32, #tpu.memory_space<vmem_shared>> -> memref<64x128xf32, #tpu.memory_space<vmem_shared>>
          %dma_start3A_376 = tpu.memref_slice %arg15[%dma_start3A_365, %dma_start3A_366] : memref<3x4x!tpu.dma_semaphore, #tpu.memory_space<semaphore_mem>> -> memref<1x1x!tpu.dma_semaphore, #tpu.memory_space<semaphore_mem>>
          %dma_start3A_377 = tpu.memref_squeeze %dma_start3A_376 : memref<1x1x!tpu.dma_semaphore, #tpu.memory_space<semaphore_mem>> -> memref<!tpu.dma_semaphore, #tpu.memory_space<semaphore_mem>>
          tpu.enqueue_indirect_dma source(%dma_start3A_375 : memref<64x128xf32, #tpu.memory_space<vmem_shared>>) target(%dma_start3A_369 : memref<40x128xf32, #tpu.memory_space<vmem>>) offsets(%dma_start3A_372 : memref<40xi32, #tpu.memory_space<vmem>>) semaphore(%dma_start3A_377 : memref<!tpu.dma_semaphore, #tpu.memory_space<semaphore_mem>>) {add = true}
          %dma_start3A_378 = arith.constant 2 : i32
          %dma_start3A_379 = arith.constant 0 : i32
          %dma_start3A_380 = arith.constant 2 : i32
          %dma_start3A_381 = arith.constant 80 : i32
          %dma_start3A_382 = arith.constant 0 : i32
          %dma_start3A_383 = tpu.memref_slice %arg7[%dma_start3A_381, %dma_start3A_382] : memref<160x128xf32, #tpu.memory_space<vmem>> -> memref<40x128xf32, #tpu.memory_space<vmem>>
          %dma_start3A_384 = arith.constant 0 : i32
          %dma_start3A_385 = tpu.memref_slice %arg10[%dma_start3A_378, %dma_start3A_384] : memref<4x40xi32, #tpu.memory_space<vmem>> -> memref<1x40xi32, #tpu.memory_space<vmem>>
          %dma_start3A_386 = tpu.memref_squeeze %dma_start3A_385 : memref<1x40xi32, #tpu.memory_space<vmem>> -> memref<40xi32, #tpu.memory_space<vmem>>
          %dma_start3A_387 = arith.constant 0 : i32
          %dma_start3A_388 = arith.constant 0 : i32
          %dma_start3A_389 = tpu.memref_slice %arg6[%dma_start3A_387, %dma_start3A_388] : memref<64x128xf32, #tpu.memory_space<vmem_shared>> -> memref<64x128xf32, #tpu.memory_space<vmem_shared>>
          %dma_start3A_390 = tpu.memref_slice %arg15[%dma_start3A_379, %dma_start3A_380] : memref<3x4x!tpu.dma_semaphore, #tpu.memory_space<semaphore_mem>> -> memref<1x1x!tpu.dma_semaphore, #tpu.memory_space<semaphore_mem>>
          %dma_start3A_391 = tpu.memref_squeeze %dma_start3A_390 : memref<1x1x!tpu.dma_semaphore, #tpu.memory_space<semaphore_mem>> -> memref<!tpu.dma_semaphore, #tpu.memory_space<semaphore_mem>>
          tpu.enqueue_indirect_dma source(%dma_start3A_389 : memref<64x128xf32, #tpu.memory_space<vmem_shared>>) target(%dma_start3A_383 : memref<40x128xf32, #tpu.memory_space<vmem>>) offsets(%dma_start3A_386 : memref<40xi32, #tpu.memory_space<vmem>>) semaphore(%dma_start3A_391 : memref<!tpu.dma_semaphore, #tpu.memory_space<semaphore_mem>>) {add = true}
          %dma_start3A_392 = arith.constant 3 : i32
          %dma_start3A_393 = arith.constant 0 : i32
          %dma_start3A_394 = arith.constant 3 : i32
          %dma_start3A_395 = arith.constant 120 : i32
          %dma_start3A_396 = arith.constant 0 : i32
          %dma_start3A_397 = tpu.memref_slice %arg7[%dma_start3A_395, %dma_start3A_396] : memref<160x128xf32, #tpu.memory_space<vmem>> -> memref<40x128xf32, #tpu.memory_space<vmem>>
          %dma_start3A_398 = arith.constant 0 : i32
          %dma_start3A_399 = tpu.memref_slice %arg10[%dma_start3A_392, %dma_start3A_398] : memref<4x40xi32, #tpu.memory_space<vmem>> -> memref<1x40xi32, #tpu.memory_space<vmem>>
          %dma_start3A_400 = tpu.memref_squeeze %dma_start3A_399 : memref<1x40xi32, #tpu.memory_space<vmem>> -> memref<40xi32, #tpu.memory_space<vmem>>
          %dma_start3A_401 = arith.constant 0 : i32
          %dma_start3A_402 = arith.constant 0 : i32
          %dma_start3A_403 = tpu.memref_slice %arg6[%dma_start3A_401, %dma_start3A_402] : memref<64x128xf32, #tpu.memory_space<vmem_shared>> -> memref<64x128xf32, #tpu.memory_space<vmem_shared>>
          %dma_start3A_404 = tpu.memref_slice %arg15[%dma_start3A_393, %dma_start3A_394] : memref<3x4x!tpu.dma_semaphore, #tpu.memory_space<semaphore_mem>> -> memref<1x1x!tpu.dma_semaphore, #tpu.memory_space<semaphore_mem>>
          %dma_start3A_405 = tpu.memref_squeeze %dma_start3A_404 : memref<1x1x!tpu.dma_semaphore, #tpu.memory_space<semaphore_mem>> -> memref<!tpu.dma_semaphore, #tpu.memory_space<semaphore_mem>>
          tpu.enqueue_indirect_dma source(%dma_start3A_403 : memref<64x128xf32, #tpu.memory_space<vmem_shared>>) target(%dma_start3A_397 : memref<40x128xf32, #tpu.memory_space<vmem>>) offsets(%dma_start3A_400 : memref<40xi32, #tpu.memory_space<vmem>>) semaphore(%dma_start3A_405 : memref<!tpu.dma_semaphore, #tpu.memory_space<semaphore_mem>>) {add = true}
        } else {
        }
      } else {
      }
    }
    %scan3A_135 = arith.constant 7 : i32
    %ge3A = arith.constant 1 : i32
    %ge3A_136 = arith.cmpi sge, %select_n3A, %ge3A : i32
    %convert_element_type3A_137 = arith.extui %ge3A_136 : i1 to i32
    %cond3A_138 = arith.constant 0 : i32
    %cond3A_139 = arith.cmpi ne, %convert_element_type3A_137, %cond3A_138 : i32
    scf.if %cond3A_139 {
      %sub3A_150 = arith.constant 1 : i32
      %sub3A_151 = arith.subi %select_n3A, %sub3A_150 : i32
      %sub3A_152 = arith.constant 1 : i32
      %sub3A_153 = arith.subi %select_n3A, %sub3A_152 : i32
      %sub3A_154 = arith.constant 0 : i32
      %sub3A_155 = arith.subi %sub3A_153, %sub3A_154 : i32
      %add3A_156 = arith.constant 3 : i32
      %add3A_157 = arith.addi %sub3A_155, %add3A_156 : i32
      %rem3A_158 = arith.constant 3 : i32
      %rem3A_159 = arith.remsi %add3A_157, %rem3A_158 : i32
      %sub3A_160 = arith.subi %sub3A_151, %rem3A_159 : i32
      %mul3A_161 = arith.constant 32 : i32
      %mul3A_162 = arith.muli %sub3A_160, %mul3A_161 : i32
      %add3A_163 = arith.addi %add3A, %mul3A_162 : i32
      %mul3A_164 = arith.constant 160 : i32
      %mul3A_165 = arith.muli %add3A_163, %mul3A_164 : i32
      %dma_wait3A_166 = arith.constant 0 : i32
      %dma_wait3A_167 = arith.constant 0 : i32
      %dma_wait3A_168 = tpu.memref_slice %arg5[%mul3A_165, %dma_wait3A_167] : memref<100000x128xf32, #tpu.memory_space<hbm>> -> memref<160x128xf32, #tpu.memory_space<hbm>>
      %dma_wait3A_169 = tpu.memref_slice %arg16[%dma_wait3A_166] : memref<3x!tpu.dma_semaphore, #tpu.memory_space<semaphore_mem>> -> memref<1x!tpu.dma_semaphore, #tpu.memory_space<semaphore_mem>>
      %dma_wait3A_170 = tpu.memref_squeeze %dma_wait3A_169 : memref<1x!tpu.dma_semaphore, #tpu.memory_space<semaphore_mem>> -> memref<!tpu.dma_semaphore, #tpu.memory_space<semaphore_mem>>
      %dma_wait3A_171 = arith.constant 0 : i32
      %dma_wait3A_172 = tpu.memref_slice %arg5[%mul3A_165, %dma_wait3A_171] : memref<100000x128xf32, #tpu.memory_space<hbm>> -> memref<160x128xf32, #tpu.memory_space<hbm>>
      tpu.wait_dma2 semaphore(%dma_wait3A_170 : memref<!tpu.dma_semaphore, #tpu.memory_space<semaphore_mem>>) src(%arg7 : memref<160x128xf32, #tpu.memory_space<vmem>>) dst(%dma_wait3A_172 : memref<160x128xf32, #tpu.memory_space<hbm>>)
    } else {
    }
    %ge3A_140 = arith.constant 2 : i32
    %ge3A_141 = arith.cmpi sge, %select_n3A, %ge3A_140 : i32
    %convert_element_type3A_142 = arith.extui %ge3A_141 : i1 to i32
    %cond3A_143 = arith.constant 0 : i32
    %cond3A_144 = arith.cmpi ne, %convert_element_type3A_142, %cond3A_143 : i32
    scf.if %cond3A_144 {
      %sub3A_150 = arith.constant 1 : i32
      %sub3A_151 = arith.subi %select_n3A, %sub3A_150 : i32
      %sub3A_152 = arith.constant 1 : i32
      %sub3A_153 = arith.subi %select_n3A, %sub3A_152 : i32
      %sub3A_154 = arith.constant 1 : i32
      %sub3A_155 = arith.subi %sub3A_153, %sub3A_154 : i32
      %add3A_156 = arith.constant 3 : i32
      %add3A_157 = arith.addi %sub3A_155, %add3A_156 : i32
      %rem3A_158 = arith.constant 3 : i32
      %rem3A_159 = arith.remsi %add3A_157, %rem3A_158 : i32
      %sub3A_160 = arith.subi %sub3A_151, %rem3A_159 : i32
      %mul3A_161 = arith.constant 32 : i32
      %mul3A_162 = arith.muli %sub3A_160, %mul3A_161 : i32
      %add3A_163 = arith.addi %add3A, %mul3A_162 : i32
      %mul3A_164 = arith.constant 160 : i32
      %mul3A_165 = arith.muli %add3A_163, %mul3A_164 : i32
      %dma_wait3A_166 = arith.constant 1 : i32
      %dma_wait3A_167 = arith.constant 0 : i32
      %dma_wait3A_168 = tpu.memref_slice %arg5[%mul3A_165, %dma_wait3A_167] : memref<100000x128xf32, #tpu.memory_space<hbm>> -> memref<160x128xf32, #tpu.memory_space<hbm>>
      %dma_wait3A_169 = tpu.memref_slice %arg16[%dma_wait3A_166] : memref<3x!tpu.dma_semaphore, #tpu.memory_space<semaphore_mem>> -> memref<1x!tpu.dma_semaphore, #tpu.memory_space<semaphore_mem>>
      %dma_wait3A_170 = tpu.memref_squeeze %dma_wait3A_169 : memref<1x!tpu.dma_semaphore, #tpu.memory_space<semaphore_mem>> -> memref<!tpu.dma_semaphore, #tpu.memory_space<semaphore_mem>>
      %dma_wait3A_171 = arith.constant 0 : i32
      %dma_wait3A_172 = tpu.memref_slice %arg5[%mul3A_165, %dma_wait3A_171] : memref<100000x128xf32, #tpu.memory_space<hbm>> -> memref<160x128xf32, #tpu.memory_space<hbm>>
      tpu.wait_dma2 semaphore(%dma_wait3A_170 : memref<!tpu.dma_semaphore, #tpu.memory_space<semaphore_mem>>) src(%arg8 : memref<160x128xf32, #tpu.memory_space<vmem>>) dst(%dma_wait3A_172 : memref<160x128xf32, #tpu.memory_space<hbm>>)
    } else {
    }
    %ge3A_145 = arith.constant 3 : i32
    %ge3A_146 = arith.cmpi sge, %select_n3A, %ge3A_145 : i32
    %convert_element_type3A_147 = arith.extui %ge3A_146 : i1 to i32
    %cond3A_148 = arith.constant 0 : i32
    %cond3A_149 = arith.cmpi ne, %convert_element_type3A_147, %cond3A_148 : i32
    scf.if %cond3A_149 {
      %sub3A_150 = arith.constant 1 : i32
      %sub3A_151 = arith.subi %select_n3A, %sub3A_150 : i32
      %sub3A_152 = arith.constant 1 : i32
      %sub3A_153 = arith.subi %select_n3A, %sub3A_152 : i32
      %sub3A_154 = arith.constant 2 : i32
      %sub3A_155 = arith.subi %sub3A_153, %sub3A_154 : i32
      %add3A_156 = arith.constant 3 : i32
      %add3A_157 = arith.addi %sub3A_155, %add3A_156 : i32
      %rem3A_158 = arith.constant 3 : i32
      %rem3A_159 = arith.remsi %add3A_157, %rem3A_158 : i32
      %sub3A_160 = arith.subi %sub3A_151, %rem3A_159 : i32
      %mul3A_161 = arith.constant 32 : i32
      %mul3A_162 = arith.muli %sub3A_160, %mul3A_161 : i32
      %add3A_163 = arith.addi %add3A, %mul3A_162 : i32
      %mul3A_164 = arith.constant 160 : i32
      %mul3A_165 = arith.muli %add3A_163, %mul3A_164 : i32
      %dma_wait3A_166 = arith.constant 2 : i32
      %dma_wait3A_167 = arith.constant 0 : i32
      %dma_wait3A_168 = tpu.memref_slice %arg5[%mul3A_165, %dma_wait3A_167] : memref<100000x128xf32, #tpu.memory_space<hbm>> -> memref<160x128xf32, #tpu.memory_space<hbm>>
      %dma_wait3A_169 = tpu.memref_slice %arg16[%dma_wait3A_166] : memref<3x!tpu.dma_semaphore, #tpu.memory_space<semaphore_mem>> -> memref<1x!tpu.dma_semaphore, #tpu.memory_space<semaphore_mem>>
      %dma_wait3A_170 = tpu.memref_squeeze %dma_wait3A_169 : memref<1x!tpu.dma_semaphore, #tpu.memory_space<semaphore_mem>> -> memref<!tpu.dma_semaphore, #tpu.memory_space<semaphore_mem>>
      %dma_wait3A_171 = arith.constant 0 : i32
      %dma_wait3A_172 = tpu.memref_slice %arg5[%mul3A_165, %dma_wait3A_171] : memref<100000x128xf32, #tpu.memory_space<hbm>> -> memref<160x128xf32, #tpu.memory_space<hbm>>
      tpu.wait_dma2 semaphore(%dma_wait3A_170 : memref<!tpu.dma_semaphore, #tpu.memory_space<semaphore_mem>>) src(%arg9 : memref<160x128xf32, #tpu.memory_space<vmem>>) dst(%dma_wait3A_172 : memref<160x128xf32, #tpu.memory_space<hbm>>)
    } else {
    }
    return
  }
}

</mosaic_0001>

<sc_bundles>
// kernel: kernel.3.cloned.1.call-start
scs
__scs_entry_jumppad:
0x0: {  	(pc) =	sbr.rel $0x88, $3  }
0x1: {  	(tag) =	ssettag $0x0;
	lr =	simm.s32 $0x1  }
0x2: {  	[smem:$0x3F9E] =	sst lr;
	_ =	strace $0xD0000000  }
0x3: {  	_ = 	snop  }
0x4: {  	_ = 	snop  }
0x5: {  	_ = 	snop  }
0x6: {  	_ = 	snop  }
0x7: {  	_ = 	snop  }
__scs_overlays_trampoline_lowered:
0x8: {  	[smem:$0x3FAD] =	sst s0  }
0x9: {  	[smem:$0x3FAE] =	sst s1  }
0xa: {  	[smem:$0x3FAF] =	sst s2  }
0xb: {  	[smem:$0x3FB0] =	sst s3  }
0xc: {  	[smem:$0x3FB1] =	sst s4  }
0xd: {  	[smem:$0x3FB2] =	sst s5  }
0xe: {  	[smem:$0x3FB3] =	sst s6  }
0xf: {  	[smem:$0x3FB4] =	sst s7  }
0x10: {  	[smem:$0x3FB5] =	sst s8  }
0x11: {  	[smem:$0x3FB6] =	sst s9;
	s0 =	simm.s32 @!p0 $0x0  }
0x12: {  	s1 =	sld [smem:$0x3F9C];
	s0 =	simm.s32 @p0 $0x1  }
0x13: {  	[smem:$0x3FB7] =	sst s0;
	s0 =	simm.s32 @!p1 $0x0  }
0x14: {  	s2 =	sld [smem:$0x3F9B];
	s0 =	simm.s32 @p1 $0x1  }
0x15: {  	[smem:$0x3FB8] =	sst s0;
	s0 =	simm.s32 @!p2 $0x0  }
0x16: {  	s3 =	sld [smem:$0x3FDB];
	s0 =	simm.s32 @p2 $0x1  }
0x17: {  	s4 =	simm.s32 $0x1BF5;
	[smem:$0x3FBA] =	sst s0  }
0x18: {  	s0 =	sld [smem:$0x3F9D];
	_ =	swait.ge [sflag:s4], $0x0  }
0x19: {  	s7 =	sld [smem:$0x3F9E]  }
0x1a: {  	s8 =	sadd.s32 $0xFFFFE003, lr  }
0x1b: {  	s9 =	sadd.s32 $0xFFFFFEF7, lr;
	s5 =	simm.s32 $0xFFFFFFFF;
	p2 =	slt.u32 s8, $0xFFFFF086  }
0x1c: {  	p1 =	slt.u32 s9, $0xF7A;
	s5 =	simm.s32 @!p2 $0x0  }
0x1d: {  	s5 =	simm.s32 @p1 $0x1;
	p0 =	seq.s32 s7, s2  }
0x1e: {  	s7 =	smul.u32 @!p0 $0xF7A, s2;
	p2 =	seq.s32 @!p0 s5, $0x0  }
0x1f: {  	s9 =	smul.u32 $0xF7A, s1;
	s8 =	simm.s32 @!p0 $0x1BF5;
	p2 =	por !p2, p0  }
0x20: {  	[sflag:s8] =	ssyncset.s32 @!p0 $0xFFFFF086;
	s6 =	sadd.s32 @!p0 s3, s7;
	s7 =	simm.s32 @!p0 $0x108  }
0x21: {  	s3 =	sadd.s32 s3, s9;
	s6 =	sadd.s32 @!p0 $0x88, s6;
	s7 =	simm.s32 @p2 $0x1082  }
0x22: {  	[simem:s7], [sflag:s8] =	dma.local @!p0 [hbm:s6], $0xF7A  }
0x23: {  	s9 =	sor.u32 $0xD0000000, s2;
	s6 =	simm.s32 $0x108;
	_ =	swait.ge @!p0 [sflag:s8], $0x0  }
0x24: {  	s3 =	sadd.s32 $0x88, s3;
	s6 =	simm.s32 @!p1 $0x1082;
	[sflag:s4] =	ssyncset.s32 $0xFFFFF086  }
0x25: {  	[simem:s6], [sflag:s4] =	dma.local [hbm:s3], $0xF7A  }
0x26: {  	[smem:$0x3F9E] =	sst s1;
	(tag) =	ssettag s2;
	_ =	strace s9  }
0x27: {  	s1 =	sld [smem:$0x3FAE]  }
0x28: {  	s2 =	sld [smem:$0x3FAF]  }
0x29: {  	s4 =	sld [smem:$0x3FB1]  }
0x2a: {  	p0 =	seq.s32 s5, $0x0;
	s5 =	sld [smem:$0x3FB2]  }
0x2b: {  	s6 =	sld [smem:$0x3FB3]  }
0x2c: {  	s7 =	sld [smem:$0x3FB4]  }
0x2d: {  	s3 =	simm.s32 $0x108;
	s8 =	sld [smem:$0x3FB5]  }
0x2e: {  	s3 =	simm.s32 @!p0 $0x1082;
	s9 =	sld [smem:$0x3FB6]  }
0x2f: {  	lr =	sadd.s32 s0, s3;
	s0 =	sld [smem:$0x3FAD]  }
0x30: {  	s3 =	sld [smem:$0x3FB0]  }
0x31: {  	[smem:$0x3FB9] =	sst s10  }
0x32: {  	s10 =	sld [smem:$0x3FB7];
	_ =	sdelay $0x3  }
0x33: {  	p0 =	seq.s32 s10, $0x1;
	s10 =	sld [smem:$0x3FB9];
	_ =	sdelay $0x3  }
0x34: {  	[smem:$0x3FB9] =	sst s10  }
0x35: {  	s10 =	sld [smem:$0x3FB8];
	_ =	sdelay $0x3  }
0x36: {  	p1 =	seq.s32 s10, $0x1;
	s10 =	sld [smem:$0x3FB9];
	_ =	sdelay $0x3  }
0x37: {  	[smem:$0x3FB9] =	sst s10  }
0x38: {  	s10 =	sld [smem:$0x3FBA]  }
0x39: {  	_ = 	snop;
	(pc) =	sbr.ind lr, $3  }
0x3a: {  	_ = 	snop  }
0x3b: {  	_ = 	snop  }
0x3c: {  	p2 =	seq.s32 s10, $0x1;
	s10 =	sld [smem:$0x3FB9]  }
0x3d: {  	_ =	shalt  }
0x3e: {  	_ =	shalt  }
0x3f: {  	_ =	shalt  }
0x40: {  	_ =	shalt  }
0x41: {  	_ =	shalt  }
0x42: {  	_ =	shalt  }
0x43: {  	_ =	shalt  }
0x44: {  	_ =	shalt  }
0x45: {  	_ =	shalt  }
0x46: {  	_ =	shalt  }
0x47: {  	_ =	shalt  }
0x48: {  	_ =	shalt  }
0x49: {  	_ =	shalt  }
0x4a: {  	_ =	shalt  }
0x4b: {  	_ =	shalt  }
0x4c: {  	_ =	shalt  }
0x4d: {  	_ =	shalt  }
0x4e: {  	_ =	shalt  }
0x4f: {  	_ =	shalt  }
0x50: {  	_ =	shalt  }
0x51: {  	_ =	shalt  }
0x52: {  	_ =	shalt  }
0x53: {  	_ =	shalt  }
0x54: {  	_ =	shalt  }
0x55: {  	_ =	shalt  }
0x56: {  	_ =	shalt  }
0x57: {  	_ =	shalt  }
0x58: {  	_ =	shalt  }
0x59: {  	_ =	shalt  }
0x5a: {  	_ =	shalt  }
0x5b: {  	_ =	shalt  }
0x5c: {  	_ =	shalt  }
0x5d: {  	_ =	shalt  }
0x5e: {  	_ =	shalt  }
0x5f: {  	_ =	shalt  }
0x60: {  	_ =	shalt  }
0x61: {  	_ =	shalt  }
0x62: {  	_ =	shalt  }
0x63: {  	_ =	shalt  }
0x64: {  	_ =	shalt  }
0x65: {  	_ =	shalt  }
0x66: {  	_ =	shalt  }
0x67: {  	_ =	shalt  }
0x68: {  	_ =	shalt  }
0x69: {  	_ =	shalt  }
0x6a: {  	_ =	shalt  }
0x6b: {  	_ =	shalt  }
0x6c: {  	_ =	shalt  }
0x6d: {  	_ =	shalt  }
0x6e: {  	_ =	shalt  }
0x6f: {  	_ =	shalt  }
0x70: {  	_ =	shalt  }
0x71: {  	_ =	shalt  }
0x72: {  	_ =	shalt  }
0x73: {  	_ =	shalt  }
0x74: {  	_ =	shalt  }
0x75: {  	_ =	shalt  }
0x76: {  	_ =	shalt  }
0x77: {  	_ =	shalt  }
0x78: {  	_ =	shalt  }
0x79: {  	_ =	shalt  }
0x7a: {  	_ =	shalt  }
0x7b: {  	_ =	shalt  }
0x7c: {  	_ =	shalt  }
0x7d: {  	_ =	shalt  }
0x7e: {  	_ =	shalt  }
0x7f: {  	_ =	shalt  }
0x80: {  	_ =	shalt  }
0x81: {  	_ =	shalt  }
0x82: {  	_ =	shalt  }
0x83: {  	_ =	shalt  }
0x84: {  	_ =	shalt  }
0x85: {  	_ =	shalt  }
0x86: {  	_ =	shalt  }
0x87: {  	_ =	shalt  }
.Lfunc_end0:
.L_simem_size_0:
called_computation_lowered:
.L_overlay_start_0:
0x88: {  	s2 =	sld [smem:$0x3FD9]  }
0x89: {  	s3 =	sld [smem:$0x3FFE];
	_ =	sdelay $0x1  }
0x8a: {  	s1 =	srdreg.scid  }
0x8b: {  	s0 =	sand.u32 $0x1, s1  }
0x8c: {  	s17 =	sshll.u32 s0, $0xA;
	s2 =	sadd.s32 s3, s2  }
0x8d: {  	s2 =	sadd.s32 s2, s17  }
0x8e: {  	[smem:$0x3FC5] =	sst s2  }
0x8f: {  	_ = 	snop  }
0x90: {  	s2 =	sld [smem:$0x3FC9]  }
0x91: {  	s18 =	sld [smem:$0x3FC7]  }
0x92: {  	s4 =	sld [smem:$0x3FD0];
	(tm) =	ssettm $0x1  }
0x93: {  	s5 =	sld [smem:$0x3FFB];
	_ =	sdelay $0x3  }
0x94: {  	_ =	strace s5  }
0x95: {  	s5 =	sld [smem:$0x3FFC];
	_ =	sdelay $0x3  }
0x96: {  	_ =	strace s5  }
0x97: {  	s5 =	sld [smem:$0x3FFD];
	_ =	sdelay $0x3  }
0x98: {  	_ =	strace s5  }
0x99: {  	_ =	strace $0x8FFFFFFF  }
0x9a: {  	s19 =	sld [smem:$0x3FDB];
	_ =	sdelay $0x1  }
0x9b: {  	s6 =	simm.s32 $_scs_section_size  }
0x9c: {  	s7 =	simm.s32 $_size__tile_overlayer_lowered;
	s8 =	simm.s32 $_tile_overlayer_lowered  }
0x9d: {  	s22 =	simm.s32 $0x1BFF;
	s21 =	sshll.u32 s8, $0x1;
	s5 =	sadd.s32 s6, s19  }
0x9e: {  	s9 =	simm.s32 $0x0;
	s20 =	sshll.u32 s7, $0x1;
	s7 =	sadd.s32 s21, s5  }
0x9f: {  	[timem:s9], [sflag:s22] =	dma.local [hbm:s7], s20  }
0xa0: {  	_ =	swait.ge [sflag:s22], s20  }
0xa1: {  	s6 =	ssub.s32 $0x0, s20;
	[sflag:s22] =	ssyncset.done $0x0  }
0xa2: {  	[sflag:s22] =	ssyncadd.s32 s6;
	_ =	sdelay $0x1  }
0xa3: {  	s23 =	simm.s32 $0x1B8B  }
0xa4: {  	_ =	swait.ge [sflag:s23], $0x1  }
0xa5: {  	[sflag:s23] =	ssyncset.done $0x0  }
0xa6: {  	s25 =	simm.s32 $0x1B8E;
	s24 =	sld [smem:$0x3FFE];
	[sflag:s23] =	ssyncadd.s32 $0xFFFFFFFF  }
0xa7: {  	s26 =	simm.s32 $execute0_lowered;
	[smem:$0x3FD2] =	sst s25  }
0xa8: {  	s7 =	sshll.u32 s26, $0x1;
	_ =	strace $0x80000046;
	[dreg:$0x1] =	wrdreg $0xFFFFFFFF  }
0xa9: {  	s28 =	simm.s32 $_size_execute0_lowered;
	s5 =	sadd.s32 s5, s7;
	[dreg:$0x0] =	wrdreg $0x0  }
0xaa: {  	s7 =	sshll.u32 s28, $0x1;
	[dreg:$0x2] =	wrdreg s5  }
0xab: {  	[dreg:$0x3] =	wrdreg s7  }
0xac: {  	[dreg:$0x4] =	wrdreg $0xC0  }
0xad: {  	_ =	task [dreg:s9], $0x5FFFF  }
0xae: {  	[dreg:$0x1] =	wrdreg $0xFFFFFFFF  }
0xaf: {  	[dreg:$0x0] =	wrdreg $0x60  }
0xb0: {  	[dreg:$0x2] =	wrdreg s2  }
0xb1: {  	[dreg:$0x3] =	wrdreg s24  }
0xb2: {  	[dreg:$0x4] =	wrdreg s18  }
0xb3: {  	[dreg:$0x5] =	wrdreg s4  }
0xb4: {  	[dreg:$0x6] =	wrdreg $0x0  }
0xb5: {  	[dreg:$0x7] =	wrdreg $0x9  }
0xb6: {  	_ =	task.clear_ibuf [dreg:s9], $0x8FFFF;
	_ =	strace $0x90000046  }
0xb7: {  	s29 =	simm.s32 $0x9;
	_ =	strace $0x80000048  }
0xb8: {  	_ =	swait.ge [sflag:s29], $0x1  }
0xb9: {  	[sflag:s29] =	ssyncadd.s32 $0xFFFFFFFF  }
0xba: {  	_ =	strace $0x90000048  }
0xbb: {  	_ =	sfence  }
0xbc: {  	s30 =	sld [smem:$0x0];
	_ =	sdelay $0x2  }
0xbd: {  	s31 =	sshll.u32 s1, $0xD;
	s1 =	sshrl.u32 s1, $0x2  }
0xbe: {  	s3 =	sand.u32 $0x4000, s31;
	s1 =	sadd.s32 s1, s30  }
0xbf: {  	s0 =	sor.u32 s3, s0;
	s1 =	sshll.u32 s1, $0x11  }
0xc0: {  	s0 =	sor.u32 s1, s0  }
0xc1: {  	s0 =	sadd.s32 $0x8F2B, s0  }
0xc2: {  	[sflag:s0] =	ssyncadd.remote.s32 $0x1  }
0xc3: {  	_ =	sfence.sel $0xFFFF  }
0xc4: {  	[dreg:$0x0] =	wrdreg $0xFFFFFFFF;
	(pc) =	sbr.abs _section_cstart, $3  }
0xc5: {  	[dreg:$0x1] =	wrdreg $0xFFFFFFFF  }
0xc6: {  	_ =	task.clear_ibuf [dreg:s9], $0x2FFFF;
	_ =	strace $0x9FFFFFFF  }
0xc7: {  	(tm) =	ssettm $0x7FFFFFFF  }
tec
execute0_lowered:
.L_overlay_start_1:
0x0: {  	(tag) =	ssettag $0x1  }
0x1: {  	s1 =	rddreg [dreg:$0x0]  }
0x2: {  	s4 =	rddreg [dreg:$0x1]  }
0x3: {  	s0 =	rddreg [dreg:$0x3]  }
0x4: {  	s2 =	rddreg [dreg:$0x4];
	s3 =	simm.s32 $0x0  }
0x5: {  	s5 =	srdreg.scid;
	s6 =	stileid.u32;
	s29 =	simm.s32 $0x9  }
0x6: {  	s31 =	simm.s32 $0xF;
	s30 =	simm.s32 $0x10;
	[smem:$0x7FF] =	sst s3  }
0x7: {  	s5 =	sand.u32 $0x1, s5;
	s7 =	sshll.u32 s6, $0x1;
	s8 =	sadd.s32 $0x400, s4  }
0x8: {  	s28 =	smul.u32 $0xA000, s6;
	p0 =	sne.s32 s6, $0x0;
	_ =	strace $0x80000047  }
0x9: {  	s22 =	ssub.s32 $0x2, s5;
	s7 =	sor.u32 s5, s7;
	s14 =	smul.u32 $0x5000, s5  }
0xa: {  	s5 =	smul.u32 $0xA00, s5;
	s9 =	sshrl.u32 s22, $0x1;
	s10 =	ssub.s32 $0x290, s7  }
0xb: {  	s11 =	smul.u32 $0xA00, s7;
	s23 =	sor.u32 $0x20, s7;
	s7 =	sshll.u32 s7, $0x6  }
0xc: {  	s12 =	ssub.s32 s22, s9;
	s4 =	sshrl.u32 s10, $0x5;
	s17 =	sadd.s32 s8, s7  }
0xd: {  	s26 =	sshll.u32 s23, $0x6;
	s24 =	sadd.s32 s1, s11;
	[dreg:$0x7] =	wrdreg s17  }
0xe: {  	s25 =	smul.u32 $0xA00, s23;
	s7 =	sadd.s32 s8, s26;
	[dreg:$0x6] =	wrdreg s24  }
0xf: {  	s9 =	sadd.s32 $0xFFFFFFFF, s4;
	s15 =	sadd.s32 $0xFFFFFFFE, s4;
	[dreg:$0x9] =	wrdreg s7  }
0x10: {  	s8 =	smul.u32 $0x1400, s6;
	s16 =	sadd.s32 $0xFFFFFFFD, s4;
	[dreg:$0xa] =	wrdreg s15  }
0x11: {  	s18 =	smax.u32 s12, $0x1;
	s6 =	simm.s32 $0x8;
	[dreg:$0xb] =	wrdreg s16  }
0x12: {  	s13 =	sadd.s32 s1, s25;
	s7 =	sadd.s32 s14, s28;
	[dreg:$0xc] =	wrdreg s18  }
0x13: {  	[dreg:$0x8] =	wrdreg s13;
	s19 =	sadd.s32 s8, s0;
	s11 =	sadd.s32 $0x3C00, s7  }
0x14: {  	s21 =	sadd.s32 $0x2800, s7;
	s23 =	sadd.s32 $0x1400, s7;
	s25 =	sadd.s32 $0x143C00, s7  }
0x15: {  	s28 =	sadd.s32 $0x142800, s7;
	s18 =	sadd.s32 $0x141400, s7;
	s1 =	sadd.s32 s8, s1  }
0x16: {  	s8 =	simm.s32 $0x0;
	s13 =	sadd.s32 s5, s19;
	s20 =	sshrl.u32 s11, $0x3  }
0x17: {  	s22 =	sshrl.u32 s21, $0x3;
	s24 =	sshrl.u32 s23, $0x3;
	s26 =	sshrl.u32 s25, $0x3  }
0x18: {  	s12 =	sshrl.u32 s28, $0x3;
	s19 =	sshrl.u32 s18, $0x3;
	s21 =	sadd.s32 $0xA3C00, s7  }
0x19: {  	s25 =	sadd.s32 $0x1000, s17;
	s28 =	sadd.s32 $0x1800, s17;
	s11 =	simm.s32 $0x12  }
0x1a: {  	s14 =	sadd.s32 s20, s0;
	s15 =	sadd.s32 s22, s0;
	s16 =	sadd.s32 s24, s0  }
0x1b: {  	s10 =	sadd.s32 s26, s0;
	s20 =	sadd.s32 s19, s0;
	[dreg:$0x13] =	wrdreg s25  }
0x1c: {  	s22 =	sadd.s32 $0xA2800, s7;
	s7 =	sadd.s32 $0xA1400, s7;
	[dreg:$0x15] =	wrdreg s28  }
0x1d: {  	s26 =	sadd.s32 $0x2000, s17;
	s25 =	simm.s32 $0xB;
	[dreg:$0xd] =	wrdreg s10  }
0x1e: {  	s10 =	sadd.s32 s12, s0;
	[dreg:$0xf] =	wrdreg s20;
	s20 =	sadd.s32 s5, s1  }
0x1f: {  	s1 =	sshrl.u32 s21, $0x3;
	s23 =	sshrl.u32 s22, $0x3;
	s24 =	sshrl.u32 s7, $0x3  }
.Ltmp0:
0x20: {  	[dreg:$0x14] =	wrdreg s26;
	s12 =	simm.s32 $0x7;
	(pc) =	sbr.rel .LBB2_1-.Ltmp0, $4  }
0x21: {  	s26 =	simm.s32 $0xC;
	[dreg:$0xe] =	wrdreg s10;
	s1 =	sadd.s32 s1, s0  }
0x22: {  	s10 =	simm.s32 $0x11;
	[dreg:$0x10] =	wrdreg s1;
	s1 =	sadd.s32 s23, s0  }
0x23: {  	s0 =	sadd.s32 s24, s0;
	s24 =	simm.s32 $0xA;
	[dreg:$0x11] =	wrdreg s1  }
0x24: {  	[dreg:$0x12] =	wrdreg s0;
	s1 =	simm.s32 $0xD;
	s0 =	simm.s32 $0xE  }
.LBB2_7:
0x25: {  	s5 =	simm.s32 $0x13  }
0x26: {  	_ =	swait.ge [sflag:s5], $0x5000  }
0x27: {  	[sflag:s5] =	ssyncset.done $0x0  }
0x28: {  	s23 =	simm.s32 $0x14;
	[sflag:s5] =	ssyncadd.s32 $0xFFFFB000  }
0x29: {  	_ =	swait.ge [sflag:s23], $0x5000  }
0x2a: {  	[sflag:s23] =	ssyncset.done $0x0  }
0x2b: {  	s7 =	simm.s32 $0x15;
	[sflag:s23] =	ssyncadd.s32 $0xFFFFB000  }
0x2c: {  	_ =	swait.ge [sflag:s7], $0x5000  }
0x2d: {  	s8 =	rddreg [dreg:$0x16]  }
0x2e: {  	s28 =	rddreg [dreg:$0xc];
	s8 =	sadd.s32 $0x1, s8  }
0x2f: {  	p1 =	sne.s32 s8, s28  }
.Ltmp1:
0x30: {  	_ = 	snop;
	(pc) =	sbr.rel @!p1 .LBB2_8-.Ltmp1, $3  }
0x31: {  	_ =	sdelay $0x1  }
0x32: {  	[sflag:s7] =	ssyncset.done $0x0  }
0x33: {  	[sflag:s7] =	ssyncadd.s32 $0xFFFFB000  }
.LBB2_1:
0x34: {  	[dreg:$0x16] =	wrdreg s8  }
0x35: {  	s5 =	rddreg [dreg:$0x6]  }
0x36: {  	s8 =	simm.s32 $0x200;
	s19 =	rddreg [dreg:$0x7]  }
0x37: {  	[tilespmem:s8], [sflag:$0x1] =	stream.linear.gather [hbm4b:s5+s3], $0x5000, $0x38;
	[tilespmem:$0xF800] =	vst v63  }
0x38: {  	s18 =	simm.s32 $0xF200;
	s21 =	rddreg [dreg:$0x8]  }
0x39: {  	[tilespmem:s18], [sflag:$0x4] =	stream.linear.gather [hbm4b:s19+s3], $0x200, $0x38;
	[tilespmem:$0xF800] =	vst v63  }
0x3a: {  	s7 =	simm.s32 $0x5200;
	s22 =	rddreg [dreg:$0x9];
	s23 =	simm.s32 $0xF400  }
0x3b: {  	[tilespmem:s7], [sflag:$0x2] =	stream.linear.gather [hbm4b:s21+s3], $0x5000, $0x38;
	[tilespmem:$0xF800] =	vst v63  }
0x3c: {  	s17 =	simm.s32 @!p0 $0x1C16;
	s5 =	sshrl.u32 @!p0 s2, $0x3;
	s7 =	rddreg [dreg:$0x2]  }
0x3d: {  	[tilespmem:s23], [sflag:$0x5] =	stream.linear.gather [hbm4b:s22+s3], $0x200, $0x38;
	[tilespmem:$0xF800] =	vst v63  }
0x3e: {  	[spmem:s5], [sflag:s17] =	dma.local @!p0 [hbm:s7], $0x400  }
0x3f: {  	s5 =	simm.s32 @!p0 $0x16  }
0x40: {  	_ =	swait.ge @!p0 [sflag:s5], $0x400  }
0x41: {  	[sflag:s5] =	ssyncset.done @!p0 $0x0  }
0x42: {  	[sflag:s5] =	ssyncadd.s32 @!p0 $0xFFFFFC00  }
0x43: {  	s28 =	simm.s32 $0x1;
	[bflag:$0x0] =	sbarrier.arrive $0xFFFF  }
0x44: {  	_ =	swait.ge [sflag:s28], $0x5000  }
0x45: {  	[sflag:s28] =	ssyncset.done $0x0  }
0x46: {  	s7 =	simm.s32 $0x4;
	[sflag:s28] =	ssyncadd.s32 $0xFFFFB000  }
0x47: {  	_ =	swait.ge [sflag:s7], $0x200  }
0x48: {  	[sflag:s7] =	ssyncset.done $0x0  }
0x49: {  	s17 =	simm.s32 $0x28;
	[sflag:s7] =	ssyncadd.s32 $0xFFFFFE00  }
0x4a: {  	[tilespmem:s8], [sflag:$0x7] =	stream.indirect.gather.add.f32 [spmem:s2], $0x80, s18, s17, $0xb8;
	[tilespmem:$0xF800] =	vst v63  }
0x4b: {  	s19 =	simm.s32 $0x1600;
	s21 =	simm.s32 $0xF300;
	s18 =	simm.s32 $0xF280  }
0x4c: {  	[tilespmem:s19], [sflag:$0x8] =	stream.indirect.gather.add.f32 [spmem:s2], $0x80, s18, s17, $0xb8;
	[tilespmem:$0xF800] =	vst v63  }
.Ltmp2:
0x4d: {  	s22 =	simm.s32 $0x2A00;
	s18 =	rddreg [dreg:$0x14];
	(pc) =	sbr.rel .LBB2_2-.Ltmp2, $4  }
0x4e: {  	[tilespmem:s22], [sflag:$0x9] =	stream.indirect.gather.add.f32 [spmem:s2], $0x80, s21, s17, $0xb8;
	[tilespmem:$0xF800] =	vst v63  }
0x4f: {  	s23 =	simm.s32 $0xF380;
	s28 =	simm.s32 $0x3E00;
	s19 =	rddreg [dreg:$0x13]  }
0x50: {  	[tilespmem:s28], [sflag:$0xA] =	stream.indirect.gather.add.f32 [spmem:s2], $0x80, s23, s17, $0xb8;
	[tilespmem:$0xF800] =	vst v63  }
0x51: {  	s22 =	simm.s32 $0x0;
	s21 =	simm.s32 $0x0;
	s17 =	rddreg [dreg:$0x15]  }
.LBB2_6:
0x52: {  	s21 =	sadd.s32 $0x3C000, s21  }
0x53: {  	p1 =	sne.s32 s21, $0x1A4000  }
.Ltmp3:
0x54: {  	_ = 	snop;
	(pc) =	sbr.rel @!p1 .LBB2_7-.Ltmp3, $3  }
0x55: {  	_ =	sdelay $0x1  }
0x56: {  	s19 =	sadd.s32 $0x1800, s19  }
0x57: {  	s18 =	sadd.s32 $0x1800, s18;
	s17 =	sadd.s32 $0x1800, s17;
	s22 =	smov.u32 s23  }
.LBB2_2:
0x58: {  	s5 =	sadd.s32 $0x2, s22  }
0x59: {  	p1 =	sge.u32 s5, s4  }
0x5a: {  	p2 =	seq.s32 @!p1 s21, $0x0  }
0x5b: {  	p2 =	por p2, p1  }
0x5c: {  	s5 =	simm.s32 @!p2 $0x15  }
0x5d: {  	_ =	swait.ge @!p2 [sflag:s5], $0x5000  }
0x5e: {  	[sflag:s5] =	ssyncset.done @!p2 $0x0  }
0x5f: {  	[sflag:s5] =	ssyncadd.s32 @!p2 $0xFFFFB000;
	s5 =	sadd.s32 @!p1 s21, s20  }
0x60: {  	s23 =	simm.s32 @!p1 $0x0;
	s28 =	simm.s32 @!p1 $0xA200;
	s5 =	sadd.s32 @!p1 $0x28000, s5  }
0x61: {  	[tilespmem:s28], [sflag:$0x3] =	stream.linear.gather @!p1 [hbm4b:s5+s23], $0x5000, $0x38;
	[tilespmem:$0xF800] =	vst v63  }
0x62: {  	s5 =	simm.s32 @!p1 $0xF600  }
0x63: {  	[tilespmem:s5], [sflag:$0x6] =	stream.linear.gather @!p1 [hbm4b:s19+s23], $0x200, $0x38;
	[tilespmem:$0xF800] =	vst v63  }
0x64: {  	_ =	swait.ge [sflag:s12], $0x1400  }
0x65: {  	[sflag:s12] =	ssyncset.done $0x0  }
0x66: {  	s7 =	simm.s32 $0x200;
	s5 =	sadd.s32 s21, s13;
	[sflag:s12] =	ssyncadd.s32 $0xFFFFEC00  }
0x67: {  	[hbm4b:s5+s3] =	stream.linear.scatter [tilespmem:s7], [sflag:$0x13], $0x1400, $0x38;
	[tilespmem:$0xF800] =	vst v63  }
0x68: {  	_ =	swait.ge [sflag:s6], $0x1400  }
0x69: {  	[sflag:s6] =	ssyncset.done $0x0  }
0x6a: {  	s8 =	sadd.s32 s21, s16;
	s28 =	simm.s32 $0x1600;
	[sflag:s6] =	ssyncadd.s32 $0xFFFFEC00  }
0x6b: {  	[hbm4b:s8+s3] =	stream.linear.scatter [tilespmem:s28], [sflag:$0x13], $0x1400, $0x38;
	[tilespmem:$0xF800] =	vst v63  }
0x6c: {  	_ =	swait.ge [sflag:s29], $0x1400  }
0x6d: {  	[sflag:s29] =	ssyncset.done $0x0  }
0x6e: {  	s8 =	sadd.s32 s21, s15;
	s28 =	simm.s32 $0x2A00;
	[sflag:s29] =	ssyncadd.s32 $0xFFFFEC00  }
0x6f: {  	[hbm4b:s8+s3] =	stream.linear.scatter [tilespmem:s28], [sflag:$0x13], $0x1400, $0x38;
	[tilespmem:$0xF800] =	vst v63  }
0x70: {  	p2 =	sge.u32 s22, s9;
	_ =	swait.ge [sflag:s24], $0x1400  }
0x71: {  	s23 =	simm.s32 @!p2 $0x2;
	[sflag:s24] =	ssyncset.done $0x0  }
0x72: {  	s7 =	sadd.s32 s21, s14;
	s8 =	simm.s32 $0x3E00;
	[sflag:s24] =	ssyncadd.s32 $0xFFFFEC00  }
0x73: {  	[hbm4b:s7+s3] =	stream.linear.scatter [tilespmem:s8], [sflag:$0x13], $0x1400, $0x38;
	[tilespmem:$0xF800] =	vst v63  }
0x74: {  	_ =	swait.ge @!p2 [sflag:s23], $0x5000  }
0x75: {  	[sflag:s23] =	ssyncset.done @!p2 $0x0  }
0x76: {  	[sflag:s23] =	ssyncadd.s32 @!p2 $0xFFFFB000;
	s23 =	simm.s32 @!p2 $0x5  }
0x77: {  	_ =	swait.ge @!p2 [sflag:s23], $0x200  }
0x78: {  	s28 =	simm.s32 @!p2 $0xF400;
	[sflag:s23] =	ssyncset.done @!p2 $0x0  }
0x79: {  	s7 =	simm.s32 @!p2 $0x5200;
	[sflag:s23] =	ssyncadd.s32 @!p2 $0xFFFFFE00;
	s23 =	simm.s32 @!p2 $0x28  }
0x7a: {  	[tilespmem:s7], [sflag:$0xB] =	stream.indirect.gather.add.f32 @!p2 [spmem:s2], $0x80, s28, s23, $0xb8;
	[tilespmem:$0xF800] =	vst v63  }
0x7b: {  	s7 =	simm.s32 @!p2 $0xF480;
	s28 =	simm.s32 @!p2 $0x6600  }
0x7c: {  	[tilespmem:s28], [sflag:$0xC] =	stream.indirect.gather.add.f32 @!p2 [spmem:s2], $0x80, s7, s23, $0xb8;
	[tilespmem:$0xF800] =	vst v63  }
0x7d: {  	s7 =	simm.s32 @!p2 $0xF500;
	s28 =	simm.s32 @!p2 $0x7A00  }
0x7e: {  	[tilespmem:s28], [sflag:$0xD] =	stream.indirect.gather.add.f32 @!p2 [spmem:s2], $0x80, s7, s23, $0xb8;
	[tilespmem:$0xF800] =	vst v63  }
0x7f: {  	s7 =	simm.s32 @!p2 $0xF580;
	s28 =	simm.s32 @!p2 $0x8E00  }
0x80: {  	[tilespmem:s28], [sflag:$0xE] =	stream.indirect.gather.add.f32 @!p2 [spmem:s2], $0x80, s7, s23, $0xb8;
	[tilespmem:$0xF800] =	vst v63  }
0x81: {  	s28 =	sadd.s32 $0x1, s22  }
0x82: {  	p2 =	sge.u32 s28, s4  }
.Ltmp4:
0x83: {  	_ = 	snop;
	(pc) =	sbr.rel @p2 .LBB2_4-.Ltmp4, $2  }
0x84: {  	_ =	sdelay $0x2  }
0x85: {  	s23 =	sadd.s32 $0x3, s22  }
0x86: {  	s7 =	sadd.s32 $0x3, s22  }
0x87: {  	p2 =	sge.u32 s7, s4  }
0x88: {  	s7 =	simm.s32 @!p2 $0x13  }
0x89: {  	_ =	swait.ge @!p2 [sflag:s7], $0x5000  }
0x8a: {  	[sflag:s7] =	ssyncset.done @!p2 $0x0  }
0x8b: {  	[sflag:s7] =	ssyncadd.s32 @!p2 $0xFFFFB000;
	s7 =	sadd.s32 @!p2 s21, s20  }
0x8c: {  	s28 =	simm.s32 @!p2 $0x0;
	s8 =	simm.s32 @!p2 $0x200;
	s7 =	sadd.s32 @!p2 $0x3C000, s7  }
0x8d: {  	[tilespmem:s8], [sflag:$0x1] =	stream.linear.gather @!p2 [hbm4b:s7+s28], $0x5000, $0x38;
	[tilespmem:$0xF800] =	vst v63  }
0x8e: {  	s7 =	simm.s32 @!p2 $0xF200  }
0x8f: {  	[tilespmem:s7], [sflag:$0x4] =	stream.linear.gather @!p2 [hbm4b:s17+s28], $0x200, $0x38;
	[tilespmem:$0xF800] =	vst v63  }
0x90: {  	_ =	swait.ge [sflag:s25], $0x1400  }
0x91: {  	[sflag:s25] =	ssyncset.done $0x0  }
0x92: {  	s8 =	sadd.s32 $0x14000, s5;
	s28 =	simm.s32 $0x5200;
	[sflag:s25] =	ssyncadd.s32 $0xFFFFEC00  }
0x93: {  	[hbm4b:s8+s3] =	stream.linear.scatter [tilespmem:s28], [sflag:$0x14], $0x1400, $0x38;
	[tilespmem:$0xF800] =	vst v63  }
0x94: {  	_ =	swait.ge [sflag:s26], $0x1400  }
0x95: {  	[sflag:s26] =	ssyncset.done $0x0;
	s8 =	rddreg [dreg:$0x12]  }
0x96: {  	s28 =	simm.s32 $0x6600;
	[sflag:s26] =	ssyncadd.s32 $0xFFFFEC00;
	s7 =	sadd.s32 s21, s8  }
0x97: {  	[hbm4b:s7+s3] =	stream.linear.scatter [tilespmem:s28], [sflag:$0x14], $0x1400, $0x38;
	[tilespmem:$0xF800] =	vst v63  }
0x98: {  	_ =	swait.ge [sflag:s1], $0x1400  }
0x99: {  	[sflag:s1] =	ssyncset.done $0x0;
	s8 =	rddreg [dreg:$0x11]  }
0x9a: {  	s28 =	simm.s32 $0x7A00;
	[sflag:s1] =	ssyncadd.s32 $0xFFFFEC00;
	s7 =	sadd.s32 s21, s8  }
0x9b: {  	[hbm4b:s7+s3] =	stream.linear.scatter [tilespmem:s28], [sflag:$0x14], $0x1400, $0x38;
	[tilespmem:$0xF800] =	vst v63  }
0x9c: {  	_ =	swait.ge [sflag:s0], $0x1400  }
0x9d: {  	[sflag:s0] =	ssyncset.done $0x0;
	s8 =	rddreg [dreg:$0x10]  }
0x9e: {  	s28 =	simm.s32 $0x8E00;
	[sflag:s0] =	ssyncadd.s32 $0xFFFFEC00;
	s7 =	sadd.s32 s21, s8  }
0x9f: {  	[hbm4b:s7+s3] =	stream.linear.scatter [tilespmem:s28], [sflag:$0x14], $0x1400, $0x38;
	[tilespmem:$0xF800] =	vst v63  }
0xa0: {  	s28 =	rddreg [dreg:$0xa]  }
0xa1: {  	p2 =	sge.u32 s22, s28  }
0xa2: {  	s7 =	simm.s32 @!p2 $0x3  }
0xa3: {  	_ =	swait.ge @!p2 [sflag:s7], $0x5000  }
0xa4: {  	[sflag:s7] =	ssyncset.done @!p2 $0x0  }
0xa5: {  	[sflag:s7] =	ssyncadd.s32 @!p2 $0xFFFFB000;
	s7 =	simm.s32 @!p2 $0x6  }
0xa6: {  	_ =	swait.ge @!p2 [sflag:s7], $0x200  }
0xa7: {  	s8 =	simm.s32 @!p2 $0xF600;
	[sflag:s7] =	ssyncset.done @!p2 $0x0  }
0xa8: {  	s28 =	simm.s32 @!p2 $0xA200;
	[sflag:s7] =	ssyncadd.s32 @!p2 $0xFFFFFE00;
	s7 =	simm.s32 @!p2 $0x28  }
0xa9: {  	[tilespmem:s28], [sflag:$0xF] =	stream.indirect.gather.add.f32 @!p2 [spmem:s2], $0x80, s8, s7, $0xb8;
	[tilespmem:$0xF800] =	vst v63  }
0xaa: {  	s8 =	simm.s32 @!p2 $0xF680;
	s28 =	simm.s32 @!p2 $0xB600  }
0xab: {  	[tilespmem:s28], [sflag:$0x10] =	stream.indirect.gather.add.f32 @!p2 [spmem:s2], $0x80, s8, s7, $0xb8;
	[tilespmem:$0xF800] =	vst v63  }
0xac: {  	s8 =	simm.s32 @!p2 $0xF700;
	s28 =	simm.s32 @!p2 $0xCA00  }
0xad: {  	[tilespmem:s28], [sflag:$0x11] =	stream.indirect.gather.add.f32 @!p2 [spmem:s2], $0x80, s8, s7, $0xb8;
	[tilespmem:$0xF800] =	vst v63  }
0xae: {  	s8 =	simm.s32 @!p2 $0xF780;
	s28 =	simm.s32 @!p2 $0xDE00  }
0xaf: {  	[tilespmem:s28], [sflag:$0x12] =	stream.indirect.gather.add.f32 @!p2 [spmem:s2], $0x80, s8, s7, $0xb8;
	[tilespmem:$0xF800] =	vst v63  }
.LBB2_4:
.Ltmp5:
0xb0: {  	(pc) =	sbr.rel @p1 .LBB2_6-.Ltmp5, $1  }
0xb1: {  	_ =	sdelay $0x3  }
0xb2: {  	s7 =	sadd.s32 $0x4, s22  }
0xb3: {  	p1 =	sge.u32 s7, s4  }
0xb4: {  	s7 =	simm.s32 @!p1 $0x14  }
0xb5: {  	_ =	swait.ge @!p1 [sflag:s7], $0x5000  }
0xb6: {  	[sflag:s7] =	ssyncset.done @!p1 $0x0  }
0xb7: {  	[sflag:s7] =	ssyncadd.s32 @!p1 $0xFFFFB000;
	s7 =	sadd.s32 @!p1 s21, s20  }
0xb8: {  	s8 =	simm.s32 @!p1 $0x0;
	s28 =	simm.s32 @!p1 $0x5200;
	s7 =	sadd.s32 @!p1 $0x50000, s7  }
0xb9: {  	[tilespmem:s28], [sflag:$0x2] =	stream.linear.gather @!p1 [hbm4b:s7+s8], $0x5000, $0x38;
	[tilespmem:$0xF800] =	vst v63  }
0xba: {  	s7 =	simm.s32 @!p1 $0xF400  }
0xbb: {  	[tilespmem:s7], [sflag:$0x5] =	stream.linear.gather @!p1 [hbm4b:s18+s8], $0x200, $0x38;
	[tilespmem:$0xF800] =	vst v63  }
0xbc: {  	_ =	swait.ge [sflag:s31], $0x1400  }
0xbd: {  	[sflag:s31] =	ssyncset.done $0x0  }
0xbe: {  	s5 =	sadd.s32 $0x28000, s5;
	s28 =	simm.s32 $0xA200;
	[sflag:s31] =	ssyncadd.s32 $0xFFFFEC00  }
0xbf: {  	[hbm4b:s5+s3] =	stream.linear.scatter [tilespmem:s28], [sflag:$0x15], $0x1400, $0x38;
	[tilespmem:$0xF800] =	vst v63  }
0xc0: {  	_ =	swait.ge [sflag:s30], $0x1400  }
0xc1: {  	[sflag:s30] =	ssyncset.done $0x0;
	s8 =	rddreg [dreg:$0xf]  }
0xc2: {  	s28 =	simm.s32 $0xB600;
	[sflag:s30] =	ssyncadd.s32 $0xFFFFEC00;
	s5 =	sadd.s32 s21, s8  }
0xc3: {  	[hbm4b:s5+s3] =	stream.linear.scatter [tilespmem:s28], [sflag:$0x15], $0x1400, $0x38;
	[tilespmem:$0xF800] =	vst v63  }
0xc4: {  	_ =	swait.ge [sflag:s10], $0x1400  }
0xc5: {  	[sflag:s10] =	ssyncset.done $0x0;
	s8 =	rddreg [dreg:$0xe]  }
0xc6: {  	s28 =	simm.s32 $0xCA00;
	[sflag:s10] =	ssyncadd.s32 $0xFFFFEC00;
	s5 =	sadd.s32 s21, s8  }
0xc7: {  	[hbm4b:s5+s3] =	stream.linear.scatter [tilespmem:s28], [sflag:$0x15], $0x1400, $0x38;
	[tilespmem:$0xF800] =	vst v63  }
0xc8: {  	_ =	swait.ge [sflag:s11], $0x1400  }
0xc9: {  	s7 =	rddreg [dreg:$0xd]  }
0xca: {  	s8 =	simm.s32 $0xDE00;
	[sflag:s11] =	ssyncset.done $0x0;
	s28 =	rddreg [dreg:$0xb]  }
0xcb: {  	[sflag:s11] =	ssyncadd.s32 $0xFFFFEC00;
	s5 =	sadd.s32 s21, s7;
	p1 =	sge.u32 s22, s28  }
0xcc: {  	[hbm4b:s5+s3] =	stream.linear.scatter [tilespmem:s8], [sflag:$0x15], $0x1400, $0x38;
	[tilespmem:$0xF800] =	vst v63  }
0xcd: {  	s5 =	simm.s32 @!p1 $0x1  }
0xce: {  	_ =	swait.ge @!p1 [sflag:s5], $0x5000  }
0xcf: {  	[sflag:s5] =	ssyncset.done @!p1 $0x0  }
0xd0: {  	[sflag:s5] =	ssyncadd.s32 @!p1 $0xFFFFB000;
	s5 =	simm.s32 @!p1 $0x4  }
0xd1: {  	_ =	swait.ge @!p1 [sflag:s5], $0x200  }
0xd2: {  	s7 =	simm.s32 @!p1 $0xF200;
	[sflag:s5] =	ssyncset.done @!p1 $0x0  }
0xd3: {  	s8 =	simm.s32 @!p1 $0x200;
	[sflag:s5] =	ssyncadd.s32 @!p1 $0xFFFFFE00;
	s5 =	simm.s32 @!p1 $0x28  }
0xd4: {  	[tilespmem:s8], [sflag:$0x7] =	stream.indirect.gather.add.f32 @!p1 [spmem:s2], $0x80, s7, s5, $0xb8;
	[tilespmem:$0xF800] =	vst v63  }
0xd5: {  	s7 =	simm.s32 @!p1 $0xF280;
	s8 =	simm.s32 @!p1 $0x1600  }
0xd6: {  	[tilespmem:s8], [sflag:$0x8] =	stream.indirect.gather.add.f32 @!p1 [spmem:s2], $0x80, s7, s5, $0xb8;
	[tilespmem:$0xF800] =	vst v63  }
.Ltmp6:
0xd7: {  	_ = 	snop;
	(pc) =	sbr.rel .LBB2_6-.Ltmp6, $4  }
0xd8: {  	s7 =	simm.s32 @!p1 $0xF300;
	s8 =	simm.s32 @!p1 $0x2A00  }
0xd9: {  	[tilespmem:s8], [sflag:$0x9] =	stream.indirect.gather.add.f32 @!p1 [spmem:s2], $0x80, s7, s5, $0xb8;
	[tilespmem:$0xF800] =	vst v63  }
0xda: {  	s7 =	simm.s32 @!p1 $0xF380;
	s8 =	simm.s32 @!p1 $0x3E00  }
0xdb: {  	[tilespmem:s8], [sflag:$0xA] =	stream.indirect.gather.add.f32 @!p1 [spmem:s2], $0x80, s7, s5, $0xb8;
	[tilespmem:$0xF800] =	vst v63  }
.LBB2_8:
0xdc: {  	_ =	sfence.sel $0x180000  }
0xdd: {  	[bflag:$0x0] =	sbarrier.arrive $0xFFFF  }
0xde: {  	_ =	strace $0x90000047  }
0xdf: {  	[bflag:$0x2] =	sbarrier.arrive $0xFFFF  }
0xe0: {  	s0 =	rddreg [dreg:$0x5]  }
0xe1: {  	s0 =	sadd.s32 @!p0 $0x100000, s0  }
0xe2: {  	[sflag:s0] =	ssyncadd.tile.s32 @!p0 $0x1;
	_ =	shalt  }
.Lfunc_end2:
_tile_overlayer_lowered:
.L_overlay_start_2:
0xe3: {  	(tag) =	ssettag $0x2  }
0xe4: {  	s0 =	rddreg [dreg:$0x0];
	s2 =	stileid.u32  }
0xe5: {  	s1 =	rddreg [dreg:$0x1];
	p0 =	sne.s32 s2, $0x0  }
0xe6: {  	s3 =	rddreg [dreg:$0x2];
	[bflag:$0x3] =	sbarrier.arrive $0xFFFF;
	s2 =	simm.s32 @!p0 $0x1C16  }
0xe7: {  	[timem:s3], [sflag:s2] =	dma.local @!p0 [hbm:s0], s1  }
0xe8: {  	s0 =	simm.s32 @!p0 $0x16  }
0xe9: {  	_ =	swait.ge @!p0 [sflag:s0], s1  }
0xea: {  	s1 =	ssub.s32 @!p0 $0x0, s1;
	[sflag:s0] =	ssyncset.done @!p0 $0x0  }
0xeb: {  	[sflag:s0] =	ssyncadd.s32 @!p0 s1  }
0xec: {  	[bflag:$0x3] =	sbarrier.arrive $0xFFFF  }
0xed: {  	_ =	shalt  }

</sc_bundles>
